<compile_context>
chip_gen: v7x
topology: tpu7x:2x2x1
jax: 0.10.2.dev20260603
libtpu: 0.0.44.dev20260713+nightly
codegen_flags: <defaults>
</compile_context>

<pallas_src>
import jax
import jax.numpy as jnp
from jax import lax
from jax.experimental import pallas as pl
from jax.experimental.pallas import tpu as pltpu
from jax.experimental.pallas import tpu_sc as plsc

_T = 8192
_BC = 8
_NQ = 4
_TCH = _T // _NQ
_OUT = _T * 8 + 8
_OUTPAD = _T * 8 + 128
_CONTRIB = _TCH * 8 + 128
_PC = 128 + _TCH + 16


def _pool_body(x_ref, o_ref):
    x = x_ref[0]
    o_ref[0] = x.reshape(16, 16, x.shape[-1]).sum(axis=1) * (1.0 / 16.0)


def _oa_body(pooled, out, pbuf, contrib, sem1, sem2, sem3):
    c = lax.axis_index("c")
    s = lax.axis_index("s")
    w = c * 16 + s
    bc = w // _NQ
    q = w % _NQ
    t0 = q * _TCH

    zero16 = jnp.zeros((16,), jnp.float32)
    lane = lax.iota(jnp.int32, 16)
    rlow = lane & 7
    rhigh = rlow + 8
    colpat = lane >> 3

    for j in range(16):
        pbuf[j, pl.ds(112, 16)] = zero16
        pbuf[j, pl.ds(128 + _TCH, 16)] = zero16

    half = _TCH // 2
    @pl.when(q > 0)
    def _():
        pltpu.async_copy(pooled.at[bc, :, pl.ds(t0 - 128, 128 + half)],
                         pbuf.at[:, pl.ds(0, 128 + half)], sem1)

    @pl.when(q == 0)
    def _():
        pltpu.async_copy(pooled.at[bc, :, pl.ds(0, half)],
                         pbuf.at[:, pl.ds(128, half)], sem1)

    cp2 = pltpu.async_copy(pooled.at[bc, :, pl.ds(t0 + half, half)],
                           pbuf.at[:, pl.ds(128 + half, half)], sem2)

    @pl.when(q > 0)
    def _():
        pltpu.make_async_copy(pooled.at[bc, :, pl.ds(t0 - 128, 128 + half)],
                              pbuf.at[:, pl.ds(0, 128 + half)], sem1).wait()

    @pl.when(q == 0)
    def _():
        pltpu.make_async_copy(pooled.at[bc, :, pl.ds(0, half)],
                              pbuf.at[:, pl.ds(128, half)], sem1).wait()

    @plsc.parallel_loop(0, half // 2, unroll=8)
    def pair_body(h):
        cola = colpat + (128 + 2 * h)
        ta = plsc.load_gather(pbuf, [rlow, cola])
        tb = plsc.load_gather(pbuf, [rhigh, cola - 1])
        contrib[pl.ds(h * 16, 16)] = ta + tb

    cp_out1 = pltpu.async_copy(contrib.at[pl.ds(0, half * 8)],
                               out.at[bc, pl.ds(t0 * 8, half * 8)], sem3)
    cp2.wait()

    @plsc.parallel_loop(half // 2, _TCH // 2 + 1, unroll=8)
    def pair_body2(h):
        cola = colpat + (128 + 2 * h)
        ta = plsc.load_gather(pbuf, [rlow, cola])
        tb = plsc.load_gather(pbuf, [rhigh, cola - 1])
        contrib[pl.ds(h * 16, 16)] = ta + tb

    pltpu.sync_copy(contrib.at[pl.ds(half * 8, half * 8)],
                    out.at[bc, pl.ds(t0 * 8 + half * 8, half * 8)])

    @pl.when(q == _NQ - 1)
    def _():
        pltpu.sync_copy(contrib.at[pl.ds(_TCH * 8, 128)],
                        out.at[bc, pl.ds(_T * 8, 128)])

    cp_out1.wait()


def kernel(est_source):
    est = est_source.reshape(_BC, 256, _T)

    pooled = pl.pallas_call(
        _pool_body,
        out_shape=jax.ShapeDtypeStruct((_BC, 16, _T), jnp.float32),
        grid=(_BC,),
        in_specs=[pl.BlockSpec((1, 256, _T), lambda b: (b, 0, 0))],
        out_specs=pl.BlockSpec((1, 16, _T), lambda b: (b, 0, 0)),
        compiler_params=pltpu.CompilerParams(
            dimension_semantics=("parallel",)),
    )(est)

    mesh = plsc.VectorSubcoreMesh(core_axis_name="c", subcore_axis_name="s")
    out = pl.kernel(
        _oa_body,
        out_type=jax.ShapeDtypeStruct((_BC, _OUTPAD), jnp.float32),
        mesh=mesh,
        scratch_types=[
            pltpu.VMEM((16, _PC), jnp.float32),
            pltpu.VMEM((_CONTRIB,), jnp.float32),
            pltpu.SemaphoreType.DMA,
            pltpu.SemaphoreType.DMA,
            pltpu.SemaphoreType.DMA,
        ],
        compiler_params=pltpu.CompilerParams(needs_layout_passes=False),
    )(pooled)
    return out[:, :_OUT].reshape(4, 2, _OUT)

# --- scband reference (transcript-rebuilt; emitter-appended) ---
"""Pipeline reference for scband-decoder-28329604284503 (READ-ONLY COPY).

The authoritative reference and input builder live on the scoring server;
editing this copy changes nothing except your own understanding.
"""

import jax, jax.numpy as jnp
import numpy as np
import math

L = 16

def _make_frame_index(frames, frame_length, frame_step):
    subframe_length = math.gcd(frame_length, frame_step)
    subframe_step = frame_step // subframe_length
    subframes_per_frame = frame_length // subframe_length
    output_size = frame_step * (frames - 1) + frame_length
    output_subframes = output_size // subframe_length
    idx = np.arange(output_subframes)
    n_windows = (output_subframes - subframes_per_frame) // subframe_step + 1
    frame = np.stack([idx[i * subframe_step: i * subframe_step + subframes_per_frame] for i in range(n_windows)])
    return frame.reshape(-1).astype(np.int32), subframe_length, output_subframes


def overlap_and_add(signal, frame_step):
    outer = signal.shape[:-2]
    frames, frame_length = signal.shape[-2:]
    frame, subframe_length, output_subframes = _make_frame_index(frames, frame_length, frame_step)
    subframe_signal = signal.reshape(*outer, -1, subframe_length)
    moved = jnp.moveaxis(subframe_signal, -2, 0)
    flat = moved.reshape(moved.shape[0], -1)
    summed = jax.ops.segment_sum(flat, jnp.asarray(frame), num_segments=output_subframes, indices_are_sorted=True)
    summed = summed.reshape(output_subframes, *outer, subframe_length)
    result = jnp.moveaxis(summed, 0, -2)
    return result.reshape(*outer, -1)


def reference(est_source):
    # est_source: [B, C, K, T]
    x = jnp.swapaxes(est_source, 2, 3)  # [B, C, T, K]
    B, C, T, K = x.shape
    # AvgPool2d((1, L)): non-overlapping mean over last dim with kernel L
    x = x.reshape(B, C, T, K // L, L).mean(axis=-1)  # [B, C, T, K//L]
    return overlap_and_add(x, L // 2)


def setup_inputs(seed: int = 0):
    key = jax.random.key(seed)
    est_source = jax.random.normal(key, (4, 2, 256, 8192), dtype=jnp.float32)
    return {"est_source": est_source}

if __name__ == "__main__":
    import jax
    _d = setup_inputs()
    print(jax.jit(kernel)(*tuple(_d.values())))

</pallas_src>

<mosaic_0001>
#map = affine_map<(d0, d1) -> (0, 0, 0)>
#map1 = affine_map<(d0, d1) -> (0, 0)>
module attributes {stable_mosaic.version = 14 : i64} {
  func.func @_oa_body(%arg0: i32, %arg1: i32, %arg2: memref<8x16x8192xf32, #tpu.memory_space<hbm>>, %arg3: memref<8x65664xf32, #tpu.memory_space<hbm>>, %arg4: memref<16x2192xf32, #tpu.memory_space<vmem>>, %arg5: memref<16512xf32, #tpu.memory_space<vmem>>, %arg6: memref<!tpu.dma_semaphore, #tpu.memory_space<semaphore_mem>>, %arg7: memref<!tpu.dma_semaphore, #tpu.memory_space<semaphore_mem>>, %arg8: memref<!tpu.dma_semaphore, #tpu.memory_space<semaphore_mem>>) attributes {dimension_semantics = [#tpu.dimension_semantics<core_parallel>, #tpu.dimension_semantics<subcore_parallel>], iteration_bounds = array<i64: 2, 16>, scalar_prefetch = 0 : i64, scratch_operands = 5 : i64, tpu.core_type = #tpu.core_type<sc_vector_subcore>, window_params = [{transform_indices = #map}, {transform_indices = #map1}]} {
    %mul3A = arith.constant 16 : i32
    %mul3A_0 = arith.muli %arg0, %mul3A : i32
    %add3A = arith.addi %mul3A_0, %arg1 : i32
    %jit3A = arith.constant 4 : i32
    %div3A = arith.divsi %add3A, %jit3A : i32
    %sign3A = arith.constant 0 : i32
    %sign3A_1 = arith.cmpi sgt, %add3A, %sign3A : i32
    %sign3A_2 = arith.extui %sign3A_1 : i1 to i32
    %sign3A_3 = arith.constant 0 : i32
    %sign3A_4 = arith.cmpi slt, %add3A, %sign3A_3 : i32
    %sign3A_5 = arith.extui %sign3A_4 : i1 to i32
    %sign3A_6 = arith.subi %sign3A_2, %sign3A_5 : i32
    %sign3A_7 = arith.constant 0 : i32
    %sign3A_8 = arith.cmpi sgt, %jit3A, %sign3A_7 : i32
    %sign3A_9 = arith.extui %sign3A_8 : i1 to i32
    %sign3A_10 = arith.constant 0 : i32
    %sign3A_11 = arith.cmpi slt, %jit3A, %sign3A_10 : i32
    %sign3A_12 = arith.extui %sign3A_11 : i1 to i32
    %sign3A_13 = arith.subi %sign3A_9, %sign3A_12 : i32
    %ne3A = arith.cmpi ne, %sign3A_6, %sign3A_13 : i32
    %rem3A = arith.remsi %add3A, %jit3A : i32
    %ne3A_14 = arith.constant 0 : i32
    %ne3A_15 = arith.cmpi ne, %rem3A, %ne3A_14 : i32
    %and3A = arith.andi %ne3A, %ne3A_15 : i1
    %sub3A = arith.constant 1 : i32
    %sub3A_16 = arith.subi %div3A, %sub3A : i32
    %select_n3A = arith.select %and3A, %sub3A_16, %div3A : i32
    %jit3A_17 = arith.constant 4 : i32
    %eq3A = arith.constant 0 : i32
    %eq3A_18 = arith.cmpi eq, %jit3A_17, %eq3A : i32
    %jit3A_19 = arith.constant 1 : i32
    %select_n3A_20 = arith.select %eq3A_18, %jit3A_19, %jit3A_17 : i32
    %rem3A_21 = arith.remsi %add3A, %select_n3A_20 : i32
    %ne3A_22 = arith.constant 0 : i32
    %ne3A_23 = arith.cmpi ne, %rem3A_21, %ne3A_22 : i32
    %lt3A = arith.constant 0 : i32
    %lt3A_24 = arith.cmpi slt, %rem3A_21, %lt3A : i32
    %lt3A_25 = arith.constant 0 : i32
    %lt3A_26 = arith.cmpi slt, %select_n3A_20, %lt3A_25 : i32
    %ne3A_27 = arith.xori %lt3A_24, %lt3A_26 : i1
    %and3A_28 = arith.andi %ne3A_27, %ne3A_23 : i1
    %add3A_29 = arith.addi %rem3A_21, %select_n3A_20 : i32
    %select_n3A_30 = arith.select %and3A_28, %add3A_29, %rem3A_21 : i32
    %mul3A_31 = arith.constant 2048 : i32
    %mul3A_32 = arith.muli %select_n3A_30, %mul3A_31 : i32
    %broadcast_in_dim3A = arith.constant 0.000000e+00 : f32
    %broadcast_in_dim3A_33 = vector.broadcast %broadcast_in_dim3A : f32 to vector<16xf32>
    %iota3A = tpu.iota {dimensions = array<i32: 0>} : vector<16xi32>
    %and3A_34 = arith.constant 7 : i32
    %and3A_35 = vector.broadcast %and3A_34 : i32 to vector<16xi32>
    %and3A_36 = arith.andi %iota3A, %and3A_35 : vector<16xi32>
    %add3A_37 = arith.constant 8 : i32
    %add3A_38 = vector.broadcast %add3A_37 : i32 to vector<16xi32>
    %add3A_39 = arith.addi %and3A_36, %add3A_38 : vector<16xi32>
    %shift_right_arithmetic3A = arith.constant 3 : i32
    %shift_right_arithmetic3A_40 = vector.broadcast %shift_right_arithmetic3A : i32 to vector<16xi32>
    %shift_right_arithmetic3A_41 = arith.shrsi %iota3A, %shift_right_arithmetic3A_40 : vector<16xi32>
    %swap3A = arith.constant 0 : i32
    %swap3A_42 = arith.index_cast %swap3A : i32 to index
    %swap3A_43 = arith.constant 112 : index
    %swap3A_44 = tpu.vector_load %arg4[%swap3A_42, %swap3A_43] {strides = array<i32>} : memref<16x2192xf32, #tpu.memory_space<vmem>>, vector<16xf32>,
    tpu.vector_store %arg4[%swap3A_42, %swap3A_43], %broadcast_in_dim3A_33 {strides = array<i32>} : memref<16x2192xf32, #tpu.memory_space<vmem>>, vector<16xf32>,
    %swap3A_45 = arith.constant 0 : i32
    %swap3A_46 = arith.index_cast %swap3A_45 : i32 to index
    %swap3A_47 = arith.constant 2176 : index
    %swap3A_48 = tpu.vector_load %arg4[%swap3A_46, %swap3A_47] {strides = array<i32>} : memref<16x2192xf32, #tpu.memory_space<vmem>>, vector<16xf32>,
    tpu.vector_store %arg4[%swap3A_46, %swap3A_47], %broadcast_in_dim3A_33 {strides = array<i32>} : memref<16x2192xf32, #tpu.memory_space<vmem>>, vector<16xf32>,
    %swap3A_49 = arith.constant 1 : i32
    %swap3A_50 = arith.index_cast %swap3A_49 : i32 to index
    %swap3A_51 = arith.constant 112 : index
    %swap3A_52 = tpu.vector_load %arg4[%swap3A_50, %swap3A_51] {strides = array<i32>} : memref<16x2192xf32, #tpu.memory_space<vmem>>, vector<16xf32>,
    tpu.vector_store %arg4[%swap3A_50, %swap3A_51], %broadcast_in_dim3A_33 {strides = array<i32>} : memref<16x2192xf32, #tpu.memory_space<vmem>>, vector<16xf32>,
    %swap3A_53 = arith.constant 1 : i32
    %swap3A_54 = arith.index_cast %swap3A_53 : i32 to index
    %swap3A_55 = arith.constant 2176 : index
    %swap3A_56 = tpu.vector_load %arg4[%swap3A_54, %swap3A_55] {strides = array<i32>} : memref<16x2192xf32, #tpu.memory_space<vmem>>, vector<16xf32>,
    tpu.vector_store %arg4[%swap3A_54, %swap3A_55], %broadcast_in_dim3A_33 {strides = array<i32>} : memref<16x2192xf32, #tpu.memory_space<vmem>>, vector<16xf32>,
    %swap3A_57 = arith.constant 2 : i32
    %swap3A_58 = arith.index_cast %swap3A_57 : i32 to index
    %swap3A_59 = arith.constant 112 : index
    %swap3A_60 = tpu.vector_load %arg4[%swap3A_58, %swap3A_59] {strides = array<i32>} : memref<16x2192xf32, #tpu.memory_space<vmem>>, vector<16xf32>,
    tpu.vector_store %arg4[%swap3A_58, %swap3A_59], %broadcast_in_dim3A_33 {strides = array<i32>} : memref<16x2192xf32, #tpu.memory_space<vmem>>, vector<16xf32>,
    %swap3A_61 = arith.constant 2 : i32
    %swap3A_62 = arith.index_cast %swap3A_61 : i32 to index
    %swap3A_63 = arith.constant 2176 : index
    %swap3A_64 = tpu.vector_load %arg4[%swap3A_62, %swap3A_63] {strides = array<i32>} : memref<16x2192xf32, #tpu.memory_space<vmem>>, vector<16xf32>,
    tpu.vector_store %arg4[%swap3A_62, %swap3A_63], %broadcast_in_dim3A_33 {strides = array<i32>} : memref<16x2192xf32, #tpu.memory_space<vmem>>, vector<16xf32>,
    %swap3A_65 = arith.constant 3 : i32
    %swap3A_66 = arith.index_cast %swap3A_65 : i32 to index
    %swap3A_67 = arith.constant 112 : index
    %swap3A_68 = tpu.vector_load %arg4[%swap3A_66, %swap3A_67] {strides = array<i32>} : memref<16x2192xf32, #tpu.memory_space<vmem>>, vector<16xf32>,
    tpu.vector_store %arg4[%swap3A_66, %swap3A_67], %broadcast_in_dim3A_33 {strides = array<i32>} : memref<16x2192xf32, #tpu.memory_space<vmem>>, vector<16xf32>,
    %swap3A_69 = arith.constant 3 : i32
    %swap3A_70 = arith.index_cast %swap3A_69 : i32 to index
    %swap3A_71 = arith.constant 2176 : index
    %swap3A_72 = tpu.vector_load %arg4[%swap3A_70, %swap3A_71] {strides = array<i32>} : memref<16x2192xf32, #tpu.memory_space<vmem>>, vector<16xf32>,
    tpu.vector_store %arg4[%swap3A_70, %swap3A_71], %broadcast_in_dim3A_33 {strides = array<i32>} : memref<16x2192xf32, #tpu.memory_space<vmem>>, vector<16xf32>,
    %swap3A_73 = arith.constant 4 : i32
    %swap3A_74 = arith.index_cast %swap3A_73 : i32 to index
    %swap3A_75 = arith.constant 112 : index
    %swap3A_76 = tpu.vector_load %arg4[%swap3A_74, %swap3A_75] {strides = array<i32>} : memref<16x2192xf32, #tpu.memory_space<vmem>>, vector<16xf32>,
    tpu.vector_store %arg4[%swap3A_74, %swap3A_75], %broadcast_in_dim3A_33 {strides = array<i32>} : memref<16x2192xf32, #tpu.memory_space<vmem>>, vector<16xf32>,
    %swap3A_77 = arith.constant 4 : i32
    %swap3A_78 = arith.index_cast %swap3A_77 : i32 to index
    %swap3A_79 = arith.constant 2176 : index
    %swap3A_80 = tpu.vector_load %arg4[%swap3A_78, %swap3A_79] {strides = array<i32>} : memref<16x2192xf32, #tpu.memory_space<vmem>>, vector<16xf32>,
    tpu.vector_store %arg4[%swap3A_78, %swap3A_79], %broadcast_in_dim3A_33 {strides = array<i32>} : memref<16x2192xf32, #tpu.memory_space<vmem>>, vector<16xf32>,
    %swap3A_81 = arith.constant 5 : i32
    %swap3A_82 = arith.index_cast %swap3A_81 : i32 to index
    %swap3A_83 = arith.constant 112 : index
    %swap3A_84 = tpu.vector_load %arg4[%swap3A_82, %swap3A_83] {strides = array<i32>} : memref<16x2192xf32, #tpu.memory_space<vmem>>, vector<16xf32>,
    tpu.vector_store %arg4[%swap3A_82, %swap3A_83], %broadcast_in_dim3A_33 {strides = array<i32>} : memref<16x2192xf32, #tpu.memory_space<vmem>>, vector<16xf32>,
    %swap3A_85 = arith.constant 5 : i32
    %swap3A_86 = arith.index_cast %swap3A_85 : i32 to index
    %swap3A_87 = arith.constant 2176 : index
    %swap3A_88 = tpu.vector_load %arg4[%swap3A_86, %swap3A_87] {strides = array<i32>} : memref<16x2192xf32, #tpu.memory_space<vmem>>, vector<16xf32>,
    tpu.vector_store %arg4[%swap3A_86, %swap3A_87], %broadcast_in_dim3A_33 {strides = array<i32>} : memref<16x2192xf32, #tpu.memory_space<vmem>>, vector<16xf32>,
    %swap3A_89 = arith.constant 6 : i32
    %swap3A_90 = arith.index_cast %swap3A_89 : i32 to index
    %swap3A_91 = arith.constant 112 : index
    %swap3A_92 = tpu.vector_load %arg4[%swap3A_90, %swap3A_91] {strides = array<i32>} : memref<16x2192xf32, #tpu.memory_space<vmem>>, vector<16xf32>,
    tpu.vector_store %arg4[%swap3A_90, %swap3A_91], %broadcast_in_dim3A_33 {strides = array<i32>} : memref<16x2192xf32, #tpu.memory_space<vmem>>, vector<16xf32>,
    %swap3A_93 = arith.constant 6 : i32
    %swap3A_94 = arith.index_cast %swap3A_93 : i32 to index
    %swap3A_95 = arith.constant 2176 : index
    %swap3A_96 = tpu.vector_load %arg4[%swap3A_94, %swap3A_95] {strides = array<i32>} : memref<16x2192xf32, #tpu.memory_space<vmem>>, vector<16xf32>,
    tpu.vector_store %arg4[%swap3A_94, %swap3A_95], %broadcast_in_dim3A_33 {strides = array<i32>} : memref<16x2192xf32, #tpu.memory_space<vmem>>, vector<16xf32>,
    %swap3A_97 = arith.constant 7 : i32
    %swap3A_98 = arith.index_cast %swap3A_97 : i32 to index
    %swap3A_99 = arith.constant 112 : index
    %swap3A_100 = tpu.vector_load %arg4[%swap3A_98, %swap3A_99] {strides = array<i32>} : memref<16x2192xf32, #tpu.memory_space<vmem>>, vector<16xf32>,
    tpu.vector_store %arg4[%swap3A_98, %swap3A_99], %broadcast_in_dim3A_33 {strides = array<i32>} : memref<16x2192xf32, #tpu.memory_space<vmem>>, vector<16xf32>,
    %swap3A_101 = arith.constant 7 : i32
    %swap3A_102 = arith.index_cast %swap3A_101 : i32 to index
    %swap3A_103 = arith.constant 2176 : index
    %swap3A_104 = tpu.vector_load %arg4[%swap3A_102, %swap3A_103] {strides = array<i32>} : memref<16x2192xf32, #tpu.memory_space<vmem>>, vector<16xf32>,
    tpu.vector_store %arg4[%swap3A_102, %swap3A_103], %broadcast_in_dim3A_33 {strides = array<i32>} : memref<16x2192xf32, #tpu.memory_space<vmem>>, vector<16xf32>,
    %swap3A_105 = arith.constant 8 : i32
    %swap3A_106 = arith.index_cast %swap3A_105 : i32 to index
    %swap3A_107 = arith.constant 112 : index
    %swap3A_108 = tpu.vector_load %arg4[%swap3A_106, %swap3A_107] {strides = array<i32>} : memref<16x2192xf32, #tpu.memory_space<vmem>>, vector<16xf32>,
    tpu.vector_store %arg4[%swap3A_106, %swap3A_107], %broadcast_in_dim3A_33 {strides = array<i32>} : memref<16x2192xf32, #tpu.memory_space<vmem>>, vector<16xf32>,
    %swap3A_109 = arith.constant 8 : i32
    %swap3A_110 = arith.index_cast %swap3A_109 : i32 to index
    %swap3A_111 = arith.constant 2176 : index
    %swap3A_112 = tpu.vector_load %arg4[%swap3A_110, %swap3A_111] {strides = array<i32>} : memref<16x2192xf32, #tpu.memory_space<vmem>>, vector<16xf32>,
    tpu.vector_store %arg4[%swap3A_110, %swap3A_111], %broadcast_in_dim3A_33 {strides = array<i32>} : memref<16x2192xf32, #tpu.memory_space<vmem>>, vector<16xf32>,
    %swap3A_113 = arith.constant 9 : i32
    %swap3A_114 = arith.index_cast %swap3A_113 : i32 to index
    %swap3A_115 = arith.constant 112 : index
    %swap3A_116 = tpu.vector_load %arg4[%swap3A_114, %swap3A_115] {strides = array<i32>} : memref<16x2192xf32, #tpu.memory_space<vmem>>, vector<16xf32>,
    tpu.vector_store %arg4[%swap3A_114, %swap3A_115], %broadcast_in_dim3A_33 {strides = array<i32>} : memref<16x2192xf32, #tpu.memory_space<vmem>>, vector<16xf32>,
    %swap3A_117 = arith.constant 9 : i32
    %swap3A_118 = arith.index_cast %swap3A_117 : i32 to index
    %swap3A_119 = arith.constant 2176 : index
    %swap3A_120 = tpu.vector_load %arg4[%swap3A_118, %swap3A_119] {strides = array<i32>} : memref<16x2192xf32, #tpu.memory_space<vmem>>, vector<16xf32>,
    tpu.vector_store %arg4[%swap3A_118, %swap3A_119], %broadcast_in_dim3A_33 {strides = array<i32>} : memref<16x2192xf32, #tpu.memory_space<vmem>>, vector<16xf32>,
    %swap3A_121 = arith.constant 10 : i32
    %swap3A_122 = arith.index_cast %swap3A_121 : i32 to index
    %swap3A_123 = arith.constant 112 : index
    %swap3A_124 = tpu.vector_load %arg4[%swap3A_122, %swap3A_123] {strides = array<i32>} : memref<16x2192xf32, #tpu.memory_space<vmem>>, vector<16xf32>,
    tpu.vector_store %arg4[%swap3A_122, %swap3A_123], %broadcast_in_dim3A_33 {strides = array<i32>} : memref<16x2192xf32, #tpu.memory_space<vmem>>, vector<16xf32>,
    %swap3A_125 = arith.constant 10 : i32
    %swap3A_126 = arith.index_cast %swap3A_125 : i32 to index
    %swap3A_127 = arith.constant 2176 : index
    %swap3A_128 = tpu.vector_load %arg4[%swap3A_126, %swap3A_127] {strides = array<i32>} : memref<16x2192xf32, #tpu.memory_space<vmem>>, vector<16xf32>,
    tpu.vector_store %arg4[%swap3A_126, %swap3A_127], %broadcast_in_dim3A_33 {strides = array<i32>} : memref<16x2192xf32, #tpu.memory_space<vmem>>, vector<16xf32>,
    %swap3A_129 = arith.constant 11 : i32
    %swap3A_130 = arith.index_cast %swap3A_129 : i32 to index
    %swap3A_131 = arith.constant 112 : index
    %swap3A_132 = tpu.vector_load %arg4[%swap3A_130, %swap3A_131] {strides = array<i32>} : memref<16x2192xf32, #tpu.memory_space<vmem>>, vector<16xf32>,
    tpu.vector_store %arg4[%swap3A_130, %swap3A_131], %broadcast_in_dim3A_33 {strides = array<i32>} : memref<16x2192xf32, #tpu.memory_space<vmem>>, vector<16xf32>,
    %swap3A_133 = arith.constant 11 : i32
    %swap3A_134 = arith.index_cast %swap3A_133 : i32 to index
    %swap3A_135 = arith.constant 2176 : index
    %swap3A_136 = tpu.vector_load %arg4[%swap3A_134, %swap3A_135] {strides = array<i32>} : memref<16x2192xf32, #tpu.memory_space<vmem>>, vector<16xf32>,
    tpu.vector_store %arg4[%swap3A_134, %swap3A_135], %broadcast_in_dim3A_33 {strides = array<i32>} : memref<16x2192xf32, #tpu.memory_space<vmem>>, vector<16xf32>,
    %swap3A_137 = arith.constant 12 : i32
    %swap3A_138 = arith.index_cast %swap3A_137 : i32 to index
    %swap3A_139 = arith.constant 112 : index
    %swap3A_140 = tpu.vector_load %arg4[%swap3A_138, %swap3A_139] {strides = array<i32>} : memref<16x2192xf32, #tpu.memory_space<vmem>>, vector<16xf32>,
    tpu.vector_store %arg4[%swap3A_138, %swap3A_139], %broadcast_in_dim3A_33 {strides = array<i32>} : memref<16x2192xf32, #tpu.memory_space<vmem>>, vector<16xf32>,
    %swap3A_141 = arith.constant 12 : i32
    %swap3A_142 = arith.index_cast %swap3A_141 : i32 to index
    %swap3A_143 = arith.constant 2176 : index
    %swap3A_144 = tpu.vector_load %arg4[%swap3A_142, %swap3A_143] {strides = array<i32>} : memref<16x2192xf32, #tpu.memory_space<vmem>>, vector<16xf32>,
    tpu.vector_store %arg4[%swap3A_142, %swap3A_143], %broadcast_in_dim3A_33 {strides = array<i32>} : memref<16x2192xf32, #tpu.memory_space<vmem>>, vector<16xf32>,
    %swap3A_145 = arith.constant 13 : i32
    %swap3A_146 = arith.index_cast %swap3A_145 : i32 to index
    %swap3A_147 = arith.constant 112 : index
    %swap3A_148 = tpu.vector_load %arg4[%swap3A_146, %swap3A_147] {strides = array<i32>} : memref<16x2192xf32, #tpu.memory_space<vmem>>, vector<16xf32>,
    tpu.vector_store %arg4[%swap3A_146, %swap3A_147], %broadcast_in_dim3A_33 {strides = array<i32>} : memref<16x2192xf32, #tpu.memory_space<vmem>>, vector<16xf32>,
    %swap3A_149 = arith.constant 13 : i32
    %swap3A_150 = arith.index_cast %swap3A_149 : i32 to index
    %swap3A_151 = arith.constant 2176 : index
    %swap3A_152 = tpu.vector_load %arg4[%swap3A_150, %swap3A_151] {strides = array<i32>} : memref<16x2192xf32, #tpu.memory_space<vmem>>, vector<16xf32>,
    tpu.vector_store %arg4[%swap3A_150, %swap3A_151], %broadcast_in_dim3A_33 {strides = array<i32>} : memref<16x2192xf32, #tpu.memory_space<vmem>>, vector<16xf32>,
    %swap3A_153 = arith.constant 14 : i32
    %swap3A_154 = arith.index_cast %swap3A_153 : i32 to index
    %swap3A_155 = arith.constant 112 : index
    %swap3A_156 = tpu.vector_load %arg4[%swap3A_154, %swap3A_155] {strides = array<i32>} : memref<16x2192xf32, #tpu.memory_space<vmem>>, vector<16xf32>,
    tpu.vector_store %arg4[%swap3A_154, %swap3A_155], %broadcast_in_dim3A_33 {strides = array<i32>} : memref<16x2192xf32, #tpu.memory_space<vmem>>, vector<16xf32>,
    %swap3A_157 = arith.constant 14 : i32
    %swap3A_158 = arith.index_cast %swap3A_157 : i32 to index
    %swap3A_159 = arith.constant 2176 : index
    %swap3A_160 = tpu.vector_load %arg4[%swap3A_158, %swap3A_159] {strides = array<i32>} : memref<16x2192xf32, #tpu.memory_space<vmem>>, vector<16xf32>,
    tpu.vector_store %arg4[%swap3A_158, %swap3A_159], %broadcast_in_dim3A_33 {strides = array<i32>} : memref<16x2192xf32, #tpu.memory_space<vmem>>, vector<16xf32>,
    %swap3A_161 = arith.constant 15 : i32
    %swap3A_162 = arith.index_cast %swap3A_161 : i32 to index
    %swap3A_163 = arith.constant 112 : index
    %swap3A_164 = tpu.vector_load %arg4[%swap3A_162, %swap3A_163] {strides = array<i32>} : memref<16x2192xf32, #tpu.memory_space<vmem>>, vector<16xf32>,
    tpu.vector_store %arg4[%swap3A_162, %swap3A_163], %broadcast_in_dim3A_33 {strides = array<i32>} : memref<16x2192xf32, #tpu.memory_space<vmem>>, vector<16xf32>,
    %swap3A_165 = arith.constant 15 : i32
    %swap3A_166 = arith.index_cast %swap3A_165 : i32 to index
    %swap3A_167 = arith.constant 2176 : index
    %swap3A_168 = tpu.vector_load %arg4[%swap3A_166, %swap3A_167] {strides = array<i32>} : memref<16x2192xf32, #tpu.memory_space<vmem>>, vector<16xf32>,
    tpu.vector_store %arg4[%swap3A_166, %swap3A_167], %broadcast_in_dim3A_33 {strides = array<i32>} : memref<16x2192xf32, #tpu.memory_space<vmem>>, vector<16xf32>,
    %gt3A = arith.constant 0 : i32
    %gt3A_169 = arith.cmpi sgt, %select_n3A_30, %gt3A : i32
    %convert_element_type3A = arith.extui %gt3A_169 : i1 to i32
    %cond3A = arith.constant 0 : i32
    %cond3A_170 = arith.cmpi ne, %convert_element_type3A, %cond3A : i32
    scf.if %cond3A_170 {
      %sub3A_242 = arith.constant 128 : i32
      %sub3A_243 = arith.subi %mul3A_32, %sub3A_242 : i32
      %dma_start3A_244 = arith.constant 0 : i32
      %dma_start3A_245 = arith.constant 0 : i32
      %dma_start3A_246 = tpu.memref_slice %arg4[%dma_start3A_244, %dma_start3A_245] : memref<16x2192xf32, #tpu.memory_space<vmem>> -> memref<16x1152xf32, #tpu.memory_space<vmem>>
      %dma_start3A_247 = arith.constant 0 : i32
      %dma_start3A_248 = tpu.memref_slice %arg2[%select_n3A, %dma_start3A_247, %sub3A_243] : memref<8x16x8192xf32, #tpu.memory_space<hbm>> -> memref<1x16x1152xf32, #tpu.memory_space<hbm>>
      %dma_start3A_249 = tpu.memref_squeeze %dma_start3A_248 : memref<1x16x1152xf32, #tpu.memory_space<hbm>> -> memref<16x1152xf32, #tpu.memory_space<hbm>>
      %dma_start3A_250 = arith.constant 0 : i32
      %dma_start3A_251 = arith.constant 0 : i32
      %dma_start3A_252 = tpu.memref_slice %arg4[%dma_start3A_250, %dma_start3A_251] : memref<16x2192xf32, #tpu.memory_space<vmem>> -> memref<16x1152xf32, #tpu.memory_space<vmem>>
      %dma_start3A_253 = arith.constant 0 : i32
      %dma_start3A_254 = tpu.memref_slice %arg2[%select_n3A, %dma_start3A_253, %sub3A_243] : memref<8x16x8192xf32, #tpu.memory_space<hbm>> -> memref<1x16x1152xf32, #tpu.memory_space<hbm>>
      %dma_start3A_255 = tpu.memref_squeeze %dma_start3A_254 : memref<1x16x1152xf32, #tpu.memory_space<hbm>> -> memref<16x1152xf32, #tpu.memory_space<hbm>>
      tpu.enqueue_dma source(%dma_start3A_255 : memref<16x1152xf32, #tpu.memory_space<hbm>>) target(%dma_start3A_252 : memref<16x1152xf32, #tpu.memory_space<vmem>>) target_semaphore(%arg6 : memref<!tpu.dma_semaphore, #tpu.memory_space<semaphore_mem>>)
    } else {
    }
    %eq3A_171 = arith.constant 0 : i32
    %eq3A_172 = arith.cmpi eq, %select_n3A_30, %eq3A_171 : i32
    %convert_element_type3A_173 = arith.extui %eq3A_172 : i1 to i32
    %cond3A_174 = arith.constant 0 : i32
    %cond3A_175 = arith.cmpi ne, %convert_element_type3A_173, %cond3A_174 : i32
    scf.if %cond3A_175 {
      %dma_start3A_242 = arith.constant 0 : i32
      %dma_start3A_243 = arith.constant 128 : i32
      %dma_start3A_244 = tpu.memref_slice %arg4[%dma_start3A_242, %dma_start3A_243] : memref<16x2192xf32, #tpu.memory_space<vmem>> -> memref<16x1024xf32, #tpu.memory_space<vmem>>
      %dma_start3A_245 = arith.constant 0 : i32
      %dma_start3A_246 = arith.constant 0 : i32
      %dma_start3A_247 = tpu.memref_slice %arg2[%select_n3A, %dma_start3A_245, %dma_start3A_246] : memref<8x16x8192xf32, #tpu.memory_space<hbm>> -> memref<1x16x1024xf32, #tpu.memory_space<hbm>>
      %dma_start3A_248 = tpu.memref_squeeze %dma_start3A_247 : memref<1x16x1024xf32, #tpu.memory_space<hbm>> -> memref<16x1024xf32, #tpu.memory_space<hbm>>
      %dma_start3A_249 = arith.constant 0 : i32
      %dma_start3A_250 = arith.constant 128 : i32
      %dma_start3A_251 = tpu.memref_slice %arg4[%dma_start3A_249, %dma_start3A_250] : memref<16x2192xf32, #tpu.memory_space<vmem>> -> memref<16x1024xf32, #tpu.memory_space<vmem>>
      %dma_start3A_252 = arith.constant 0 : i32
      %dma_start3A_253 = arith.constant 0 : i32
      %dma_start3A_254 = tpu.memref_slice %arg2[%select_n3A, %dma_start3A_252, %dma_start3A_253] : memref<8x16x8192xf32, #tpu.memory_space<hbm>> -> memref<1x16x1024xf32, #tpu.memory_space<hbm>>
      %dma_start3A_255 = tpu.memref_squeeze %dma_start3A_254 : memref<1x16x1024xf32, #tpu.memory_space<hbm>> -> memref<16x1024xf32, #tpu.memory_space<hbm>>
      tpu.enqueue_dma source(%dma_start3A_255 : memref<16x1024xf32, #tpu.memory_space<hbm>>) target(%dma_start3A_251 : memref<16x1024xf32, #tpu.memory_space<vmem>>) target_semaphore(%arg6 : memref<!tpu.dma_semaphore, #tpu.memory_space<semaphore_mem>>)
    } else {
    }
    %add3A_176 = arith.constant 1024 : i32
    %add3A_177 = arith.addi %mul3A_32, %add3A_176 : i32
    %dma_start3A = arith.constant 0 : i32
    %dma_start3A_178 = arith.constant 1152 : i32
    %dma_start3A_179 = tpu.memref_slice %arg4[%dma_start3A, %dma_start3A_178] : memref<16x2192xf32, #tpu.memory_space<vmem>> -> memref<16x1024xf32, #tpu.memory_space<vmem>>
    %dma_start3A_180 = arith.constant 0 : i32
    %dma_start3A_181 = tpu.memref_slice %arg2[%select_n3A, %dma_start3A_180, %add3A_177] : memref<8x16x8192xf32, #tpu.memory_space<hbm>> -> memref<1x16x1024xf32, #tpu.memory_space<hbm>>
    %dma_start3A_182 = tpu.memref_squeeze %dma_start3A_181 : memref<1x16x1024xf32, #tpu.memory_space<hbm>> -> memref<16x1024xf32, #tpu.memory_space<hbm>>
    %dma_start3A_183 = arith.constant 0 : i32
    %dma_start3A_184 = arith.constant 1152 : i32
    %dma_start3A_185 = tpu.memref_slice %arg4[%dma_start3A_183, %dma_start3A_184] : memref<16x2192xf32, #tpu.memory_space<vmem>> -> memref<16x1024xf32, #tpu.memory_space<vmem>>
    %dma_start3A_186 = arith.constant 0 : i32
    %dma_start3A_187 = tpu.memref_slice %arg2[%select_n3A, %dma_start3A_186, %add3A_177] : memref<8x16x8192xf32, #tpu.memory_space<hbm>> -> memref<1x16x1024xf32, #tpu.memory_space<hbm>>
    %dma_start3A_188 = tpu.memref_squeeze %dma_start3A_187 : memref<1x16x1024xf32, #tpu.memory_space<hbm>> -> memref<16x1024xf32, #tpu.memory_space<hbm>>
    tpu.enqueue_dma source(%dma_start3A_188 : memref<16x1024xf32, #tpu.memory_space<hbm>>) target(%dma_start3A_185 : memref<16x1024xf32, #tpu.memory_space<vmem>>) target_semaphore(%arg7 : memref<!tpu.dma_semaphore, #tpu.memory_space<semaphore_mem>>)
    %gt3A_189 = arith.constant 0 : i32
    %gt3A_190 = arith.cmpi sgt, %select_n3A_30, %gt3A_189 : i32
    %convert_element_type3A_191 = arith.extui %gt3A_190 : i1 to i32
    %cond3A_192 = arith.constant 0 : i32
    %cond3A_193 = arith.cmpi ne, %convert_element_type3A_191, %cond3A_192 : i32
    scf.if %cond3A_193 {
      %sub3A_242 = arith.constant 128 : i32
      %sub3A_243 = arith.subi %mul3A_32, %sub3A_242 : i32
      %dma_wait3A_244 = arith.constant 0 : i32
      %dma_wait3A_245 = arith.constant 0 : i32
      %dma_wait3A_246 = tpu.memref_slice %arg4[%dma_wait3A_244, %dma_wait3A_245] : memref<16x2192xf32, #tpu.memory_space<vmem>> -> memref<16x1152xf32, #tpu.memory_space<vmem>>
      %dma_wait3A_247 = arith.constant 0 : i32
      %dma_wait3A_248 = tpu.memref_slice %arg2[%select_n3A, %dma_wait3A_247, %sub3A_243] : memref<8x16x8192xf32, #tpu.memory_space<hbm>> -> memref<1x16x1152xf32, #tpu.memory_space<hbm>>
      %dma_wait3A_249 = tpu.memref_squeeze %dma_wait3A_248 : memref<1x16x1152xf32, #tpu.memory_space<hbm>> -> memref<16x1152xf32, #tpu.memory_space<hbm>>
      %dma_wait3A_250 = arith.constant 0 : i32
      %dma_wait3A_251 = arith.constant 0 : i32
      %dma_wait3A_252 = tpu.memref_slice %arg4[%dma_wait3A_250, %dma_wait3A_251] : memref<16x2192xf32, #tpu.memory_space<vmem>> -> memref<16x1152xf32, #tpu.memory_space<vmem>>
      %dma_wait3A_253 = arith.constant 0 : i32
      %dma_wait3A_254 = tpu.memref_slice %arg2[%select_n3A, %dma_wait3A_253, %sub3A_243] : memref<8x16x8192xf32, #tpu.memory_space<hbm>> -> memref<1x16x1152xf32, #tpu.memory_space<hbm>>
      %dma_wait3A_255 = tpu.memref_squeeze %dma_wait3A_254 : memref<1x16x1152xf32, #tpu.memory_space<hbm>> -> memref<16x1152xf32, #tpu.memory_space<hbm>>
      tpu.wait_dma2 semaphore(%arg6 : memref<!tpu.dma_semaphore, #tpu.memory_space<semaphore_mem>>) src(%dma_wait3A_255 : memref<16x1152xf32, #tpu.memory_space<hbm>>) dst(%dma_wait3A_252 : memref<16x1152xf32, #tpu.memory_space<vmem>>)
    } else {
    }
    %eq3A_194 = arith.constant 0 : i32
    %eq3A_195 = arith.cmpi eq, %select_n3A_30, %eq3A_194 : i32
    %convert_element_type3A_196 = arith.extui %eq3A_195 : i1 to i32
    %cond3A_197 = arith.constant 0 : i32
    %cond3A_198 = arith.cmpi ne, %convert_element_type3A_196, %cond3A_197 : i32
    scf.if %cond3A_198 {
      %dma_wait3A_242 = arith.constant 0 : i32
      %dma_wait3A_243 = arith.constant 128 : i32
      %dma_wait3A_244 = tpu.memref_slice %arg4[%dma_wait3A_242, %dma_wait3A_243] : memref<16x2192xf32, #tpu.memory_space<vmem>> -> memref<16x1024xf32, #tpu.memory_space<vmem>>
      %dma_wait3A_245 = arith.constant 0 : i32
      %dma_wait3A_246 = arith.constant 0 : i32
      %dma_wait3A_247 = tpu.memref_slice %arg2[%select_n3A, %dma_wait3A_245, %dma_wait3A_246] : memref<8x16x8192xf32, #tpu.memory_space<hbm>> -> memref<1x16x1024xf32, #tpu.memory_space<hbm>>
      %dma_wait3A_248 = tpu.memref_squeeze %dma_wait3A_247 : memref<1x16x1024xf32, #tpu.memory_space<hbm>> -> memref<16x1024xf32, #tpu.memory_space<hbm>>
      %dma_wait3A_249 = arith.constant 0 : i32
      %dma_wait3A_250 = arith.constant 128 : i32
      %dma_wait3A_251 = tpu.memref_slice %arg4[%dma_wait3A_249, %dma_wait3A_250] : memref<16x2192xf32, #tpu.memory_space<vmem>> -> memref<16x1024xf32, #tpu.memory_space<vmem>>
      %dma_wait3A_252 = arith.constant 0 : i32
      %dma_wait3A_253 = arith.constant 0 : i32
      %dma_wait3A_254 = tpu.memref_slice %arg2[%select_n3A, %dma_wait3A_252, %dma_wait3A_253] : memref<8x16x8192xf32, #tpu.memory_space<hbm>> -> memref<1x16x1024xf32, #tpu.memory_space<hbm>>
      %dma_wait3A_255 = tpu.memref_squeeze %dma_wait3A_254 : memref<1x16x1024xf32, #tpu.memory_space<hbm>> -> memref<16x1024xf32, #tpu.memory_space<hbm>>
      tpu.wait_dma2 semaphore(%arg6 : memref<!tpu.dma_semaphore, #tpu.memory_space<semaphore_mem>>) src(%dma_wait3A_255 : memref<16x1024xf32, #tpu.memory_space<hbm>>) dst(%dma_wait3A_251 : memref<16x1024xf32, #tpu.memory_space<vmem>>)
    } else {
    }
    %parallel_loop3A = arith.constant 0 : i32
    %parallel_loop3A_199 = arith.constant 512 : i32
    %parallel_loop3A_200 = arith.constant 1 : i32
    scf.for %parallel_loop3A_242 = %parallel_loop3A to %parallel_loop3A_199 step %parallel_loop3A_200  : i32 {
      %parallel_loop3A_243 = arith.constant 2 : i32
      %parallel_loop3A_244 = arith.muli %parallel_loop3A_243, %parallel_loop3A_242 : i32
      %parallel_loop3A_245 = arith.constant 128 : i32
      %parallel_loop3A_246 = arith.addi %parallel_loop3A_245, %parallel_loop3A_244 : i32
      %parallel_loop3A_247 = vector.broadcast %parallel_loop3A_246 : i32 to vector<16xi32>
      %parallel_loop3A_248 = arith.addi %shift_right_arithmetic3A_41, %parallel_loop3A_247 : vector<16xi32>
      %parallel_loop3A_249 = tpu.vector_load_idx %arg4[%and3A_36, %parallel_loop3A_248] : memref<16x2192xf32, #tpu.memory_space<vmem>>[vector<16xi32>, vector<16xi32>], vector<16xf32>,
      %parallel_loop3A_250 = arith.constant 1 : i32
      %parallel_loop3A_251 = vector.broadcast %parallel_loop3A_250 : i32 to vector<16xi32>
      %parallel_loop3A_252 = arith.subi %parallel_loop3A_248, %parallel_loop3A_251 : vector<16xi32>
      %parallel_loop3A_253 = tpu.vector_load_idx %arg4[%add3A_39, %parallel_loop3A_252] : memref<16x2192xf32, #tpu.memory_space<vmem>>[vector<16xi32>, vector<16xi32>], vector<16xf32>,
      %parallel_loop3A_254 = arith.addf %parallel_loop3A_249, %parallel_loop3A_253 : vector<16xf32>
      %parallel_loop3A_255 = arith.constant 16 : i32
      %parallel_loop3A_256 = arith.muli %parallel_loop3A_242, %parallel_loop3A_255 : i32
      %parallel_loop3A_257 = arith.index_cast %parallel_loop3A_256 : i32 to index
      %parallel_loop3A_258 = tpu.vector_load %arg5[%parallel_loop3A_257] {strides = array<i32>} : memref<16512xf32, #tpu.memory_space<vmem>>, vector<16xf32>,
      tpu.vector_store %arg5[%parallel_loop3A_257], %parallel_loop3A_254 {strides = array<i32>} : memref<16512xf32, #tpu.memory_space<vmem>>, vector<16xf32>,
    } {sc.loop_unroll_factor = 8 : i64, sc.parallel_access}
    %mul3A_201 = arith.constant 8 : i32
    %mul3A_202 = arith.muli %mul3A_32, %mul3A_201 : i32
    %dma_start3A_203 = arith.constant 0 : i32
    %dma_start3A_204 = tpu.memref_slice %arg5[%dma_start3A_203] : memref<16512xf32, #tpu.memory_space<vmem>> -> memref<8192xf32, #tpu.memory_space<vmem>>
    %dma_start3A_205 = tpu.memref_slice %arg3[%select_n3A, %mul3A_202] : memref<8x65664xf32, #tpu.memory_space<hbm>> -> memref<1x8192xf32, #tpu.memory_space<hbm>>
    %dma_start3A_206 = tpu.memref_squeeze %dma_start3A_205 : memref<1x8192xf32, #tpu.memory_space<hbm>> -> memref<8192xf32, #tpu.memory_space<hbm>>
    %dma_start3A_207 = tpu.memref_slice %arg3[%select_n3A, %mul3A_202] : memref<8x65664xf32, #tpu.memory_space<hbm>> -> memref<1x8192xf32, #tpu.memory_space<hbm>>
    %dma_start3A_208 = tpu.memref_squeeze %dma_start3A_207 : memref<1x8192xf32, #tpu.memory_space<hbm>> -> memref<8192xf32, #tpu.memory_space<hbm>>
    %dma_start3A_209 = arith.constant 0 : i32
    %dma_start3A_210 = tpu.memref_slice %arg5[%dma_start3A_209] : memref<16512xf32, #tpu.memory_space<vmem>> -> memref<8192xf32, #tpu.memory_space<vmem>>
    tpu.enqueue_dma source(%dma_start3A_210 : memref<8192xf32, #tpu.memory_space<vmem>>) target(%dma_start3A_208 : memref<8192xf32, #tpu.memory_space<hbm>>) target_semaphore(%arg8 : memref<!tpu.dma_semaphore, #tpu.memory_space<semaphore_mem>>)
    %dma_wait3A = arith.constant 0 : i32
    %dma_wait3A_211 = arith.constant 1152 : i32
    %dma_wait3A_212 = tpu.memref_slice %arg4[%dma_wait3A, %dma_wait3A_211] : memref<16x2192xf32, #tpu.memory_space<vmem>> -> memref<16x1024xf32, #tpu.memory_space<vmem>>
    %dma_wait3A_213 = arith.constant 0 : i32
    %dma_wait3A_214 = tpu.memref_slice %arg2[%select_n3A, %dma_wait3A_213, %add3A_177] : memref<8x16x8192xf32, #tpu.memory_space<hbm>> -> memref<1x16x1024xf32, #tpu.memory_space<hbm>>
    %dma_wait3A_215 = tpu.memref_squeeze %dma_wait3A_214 : memref<1x16x1024xf32, #tpu.memory_space<hbm>> -> memref<16x1024xf32, #tpu.memory_space<hbm>>
    %dma_wait3A_216 = arith.constant 0 : i32
    %dma_wait3A_217 = arith.constant 1152 : i32
    %dma_wait3A_218 = tpu.memref_slice %arg4[%dma_wait3A_216, %dma_wait3A_217] : memref<16x2192xf32, #tpu.memory_space<vmem>> -> memref<16x1024xf32, #tpu.memory_space<vmem>>
    %dma_wait3A_219 = arith.constant 0 : i32
    %dma_wait3A_220 = tpu.memref_slice %arg2[%select_n3A, %dma_wait3A_219, %add3A_177] : memref<8x16x8192xf32, #tpu.memory_space<hbm>> -> memref<1x16x1024xf32, #tpu.memory_space<hbm>>
    %dma_wait3A_221 = tpu.memref_squeeze %dma_wait3A_220 : memref<1x16x1024xf32, #tpu.memory_space<hbm>> -> memref<16x1024xf32, #tpu.memory_space<hbm>>
    tpu.wait_dma2 semaphore(%arg7 : memref<!tpu.dma_semaphore, #tpu.memory_space<semaphore_mem>>) src(%dma_wait3A_221 : memref<16x1024xf32, #tpu.memory_space<hbm>>) dst(%dma_wait3A_218 : memref<16x1024xf32, #tpu.memory_space<vmem>>)
    %parallel_loop3A_222 = arith.constant 512 : i32
    %parallel_loop3A_223 = arith.constant 1025 : i32
    %parallel_loop3A_224 = arith.constant 1 : i32
    scf.for %parallel_loop3A_242 = %parallel_loop3A_222 to %parallel_loop3A_223 step %parallel_loop3A_224  : i32 {
      %parallel_loop3A_243 = arith.constant 2 : i32
      %parallel_loop3A_244 = arith.muli %parallel_loop3A_243, %parallel_loop3A_242 : i32
      %parallel_loop3A_245 = arith.constant 128 : i32
      %parallel_loop3A_246 = arith.addi %parallel_loop3A_245, %parallel_loop3A_244 : i32
      %parallel_loop3A_247 = vector.broadcast %parallel_loop3A_246 : i32 to vector<16xi32>
      %parallel_loop3A_248 = arith.addi %shift_right_arithmetic3A_41, %parallel_loop3A_247 : vector<16xi32>
      %parallel_loop3A_249 = tpu.vector_load_idx %arg4[%and3A_36, %parallel_loop3A_248] : memref<16x2192xf32, #tpu.memory_space<vmem>>[vector<16xi32>, vector<16xi32>], vector<16xf32>,
      %parallel_loop3A_250 = arith.constant 1 : i32
      %parallel_loop3A_251 = vector.broadcast %parallel_loop3A_250 : i32 to vector<16xi32>
      %parallel_loop3A_252 = arith.subi %parallel_loop3A_248, %parallel_loop3A_251 : vector<16xi32>
      %parallel_loop3A_253 = tpu.vector_load_idx %arg4[%add3A_39, %parallel_loop3A_252] : memref<16x2192xf32, #tpu.memory_space<vmem>>[vector<16xi32>, vector<16xi32>], vector<16xf32>,
      %parallel_loop3A_254 = arith.addf %parallel_loop3A_249, %parallel_loop3A_253 : vector<16xf32>
      %parallel_loop3A_255 = arith.constant 16 : i32
      %parallel_loop3A_256 = arith.muli %parallel_loop3A_242, %parallel_loop3A_255 : i32
      %parallel_loop3A_257 = arith.index_cast %parallel_loop3A_256 : i32 to index
      %parallel_loop3A_258 = tpu.vector_load %arg5[%parallel_loop3A_257] {strides = array<i32>} : memref<16512xf32, #tpu.memory_space<vmem>>, vector<16xf32>,
      tpu.vector_store %arg5[%parallel_loop3A_257], %parallel_loop3A_254 {strides = array<i32>} : memref<16512xf32, #tpu.memory_space<vmem>>, vector<16xf32>,
    } {sc.loop_unroll_factor = 8 : i64, sc.parallel_access}
    %mul3A_225 = arith.constant 8 : i32
    %mul3A_226 = arith.muli %mul3A_32, %mul3A_225 : i32
    %add3A_227 = arith.constant 8192 : i32
    %add3A_228 = arith.addi %mul3A_226, %add3A_227 : i32
    "tpu.region"() ({
      %run_scoped3A = tpu.sem_alloc : memref<!tpu.dma_semaphore, #tpu.memory_space<semaphore_mem>>
      %dma_start3A_242 = arith.constant 8192 : i32
      %dma_start3A_243 = tpu.memref_slice %arg5[%dma_start3A_242] : memref<16512xf32, #tpu.memory_space<vmem>> -> memref<8192xf32, #tpu.memory_space<vmem>>
      %dma_start3A_244 = tpu.memref_slice %arg3[%select_n3A, %add3A_228] : memref<8x65664xf32, #tpu.memory_space<hbm>> -> memref<1x8192xf32, #tpu.memory_space<hbm>>
      %dma_start3A_245 = tpu.memref_squeeze %dma_start3A_244 : memref<1x8192xf32, #tpu.memory_space<hbm>> -> memref<8192xf32, #tpu.memory_space<hbm>>
      %dma_start3A_246 = tpu.memref_slice %arg3[%select_n3A, %add3A_228] : memref<8x65664xf32, #tpu.memory_space<hbm>> -> memref<1x8192xf32, #tpu.memory_space<hbm>>
      %dma_start3A_247 = tpu.memref_squeeze %dma_start3A_246 : memref<1x8192xf32, #tpu.memory_space<hbm>> -> memref<8192xf32, #tpu.memory_space<hbm>>
      %dma_start3A_248 = arith.constant 8192 : i32
      %dma_start3A_249 = tpu.memref_slice %arg5[%dma_start3A_248] : memref<16512xf32, #tpu.memory_space<vmem>> -> memref<8192xf32, #tpu.memory_space<vmem>>
      tpu.enqueue_dma source(%dma_start3A_249 : memref<8192xf32, #tpu.memory_space<vmem>>) target(%dma_start3A_247 : memref<8192xf32, #tpu.memory_space<hbm>>) target_semaphore(%run_scoped3A : memref<!tpu.dma_semaphore, #tpu.memory_space<semaphore_mem>>)
      %dma_wait3A_250 = arith.constant 8192 : i32
      %dma_wait3A_251 = tpu.memref_slice %arg5[%dma_wait3A_250] : memref<16512xf32, #tpu.memory_space<vmem>> -> memref<8192xf32, #tpu.memory_space<vmem>>
      %dma_wait3A_252 = tpu.memref_slice %arg3[%select_n3A, %add3A_228] : memref<8x65664xf32, #tpu.memory_space<hbm>> -> memref<1x8192xf32, #tpu.memory_space<hbm>>
      %dma_wait3A_253 = tpu.memref_squeeze %dma_wait3A_252 : memref<1x8192xf32, #tpu.memory_space<hbm>> -> memref<8192xf32, #tpu.memory_space<hbm>>
      %dma_wait3A_254 = tpu.memref_slice %arg3[%select_n3A, %add3A_228] : memref<8x65664xf32, #tpu.memory_space<hbm>> -> memref<1x8192xf32, #tpu.memory_space<hbm>>
      %dma_wait3A_255 = tpu.memref_squeeze %dma_wait3A_254 : memref<1x8192xf32, #tpu.memory_space<hbm>> -> memref<8192xf32, #tpu.memory_space<hbm>>
      %dma_wait3A_256 = arith.constant 8192 : i32
      %dma_wait3A_257 = tpu.memref_slice %arg5[%dma_wait3A_256] : memref<16512xf32, #tpu.memory_space<vmem>> -> memref<8192xf32, #tpu.memory_space<vmem>>
      tpu.wait_dma2 semaphore(%run_scoped3A : memref<!tpu.dma_semaphore, #tpu.memory_space<semaphore_mem>>) src(%dma_wait3A_257 : memref<8192xf32, #tpu.memory_space<vmem>>) dst(%dma_wait3A_255 : memref<8192xf32, #tpu.memory_space<hbm>>)
      tpu.yield
    }) : () -> ()
    %eq3A_229 = arith.constant 3 : i32
    %eq3A_230 = arith.cmpi eq, %select_n3A_30, %eq3A_229 : i32
    %convert_element_type3A_231 = arith.extui %eq3A_230 : i1 to i32
    %cond3A_232 = arith.constant 0 : i32
    %cond3A_233 = arith.cmpi ne, %convert_element_type3A_231, %cond3A_232 : i32
    scf.if %cond3A_233 {
      "tpu.region"() ({
        %run_scoped3A = tpu.sem_alloc : memref<!tpu.dma_semaphore, #tpu.memory_space<semaphore_mem>>
        %dma_start3A_242 = arith.constant 16384 : i32
        %dma_start3A_243 = tpu.memref_slice %arg5[%dma_start3A_242] : memref<16512xf32, #tpu.memory_space<vmem>> -> memref<128xf32, #tpu.memory_space<vmem>>
        %dma_start3A_244 = arith.constant 65536 : i32
        %dma_start3A_245 = tpu.memref_slice %arg3[%select_n3A, %dma_start3A_244] : memref<8x65664xf32, #tpu.memory_space<hbm>> -> memref<1x128xf32, #tpu.memory_space<hbm>>
        %dma_start3A_246 = tpu.memref_squeeze %dma_start3A_245 : memref<1x128xf32, #tpu.memory_space<hbm>> -> memref<128xf32, #tpu.memory_space<hbm>>
        %dma_start3A_247 = arith.constant 65536 : i32
        %dma_start3A_248 = tpu.memref_slice %arg3[%select_n3A, %dma_start3A_247] : memref<8x65664xf32, #tpu.memory_space<hbm>> -> memref<1x128xf32, #tpu.memory_space<hbm>>
        %dma_start3A_249 = tpu.memref_squeeze %dma_start3A_248 : memref<1x128xf32, #tpu.memory_space<hbm>> -> memref<128xf32, #tpu.memory_space<hbm>>
        %dma_start3A_250 = arith.constant 16384 : i32
        %dma_start3A_251 = tpu.memref_slice %arg5[%dma_start3A_250] : memref<16512xf32, #tpu.memory_space<vmem>> -> memref<128xf32, #tpu.memory_space<vmem>>
        tpu.enqueue_dma source(%dma_start3A_251 : memref<128xf32, #tpu.memory_space<vmem>>) target(%dma_start3A_249 : memref<128xf32, #tpu.memory_space<hbm>>) target_semaphore(%run_scoped3A : memref<!tpu.dma_semaphore, #tpu.memory_space<semaphore_mem>>)
        %dma_wait3A_252 = arith.constant 16384 : i32
        %dma_wait3A_253 = tpu.memref_slice %arg5[%dma_wait3A_252] : memref<16512xf32, #tpu.memory_space<vmem>> -> memref<128xf32, #tpu.memory_space<vmem>>
        %dma_wait3A_254 = arith.constant 65536 : i32
        %dma_wait3A_255 = tpu.memref_slice %arg3[%select_n3A, %dma_wait3A_254] : memref<8x65664xf32, #tpu.memory_space<hbm>> -> memref<1x128xf32, #tpu.memory_space<hbm>>
        %dma_wait3A_256 = tpu.memref_squeeze %dma_wait3A_255 : memref<1x128xf32, #tpu.memory_space<hbm>> -> memref<128xf32, #tpu.memory_space<hbm>>
        %dma_wait3A_257 = arith.constant 65536 : i32
        %dma_wait3A_258 = tpu.memref_slice %arg3[%select_n3A, %dma_wait3A_257] : memref<8x65664xf32, #tpu.memory_space<hbm>> -> memref<1x128xf32, #tpu.memory_space<hbm>>
        %dma_wait3A_259 = tpu.memref_squeeze %dma_wait3A_258 : memref<1x128xf32, #tpu.memory_space<hbm>> -> memref<128xf32, #tpu.memory_space<hbm>>
        %dma_wait3A_260 = arith.constant 16384 : i32
        %dma_wait3A_261 = tpu.memref_slice %arg5[%dma_wait3A_260] : memref<16512xf32, #tpu.memory_space<vmem>> -> memref<128xf32, #tpu.memory_space<vmem>>
        tpu.wait_dma2 semaphore(%run_scoped3A : memref<!tpu.dma_semaphore, #tpu.memory_space<semaphore_mem>>) src(%dma_wait3A_261 : memref<128xf32, #tpu.memory_space<vmem>>) dst(%dma_wait3A_259 : memref<128xf32, #tpu.memory_space<hbm>>)
        tpu.yield
      }) : () -> ()
    } else {
    }
    %dma_wait3A_234 = arith.constant 0 : i32
    %dma_wait3A_235 = tpu.memref_slice %arg5[%dma_wait3A_234] : memref<16512xf32, #tpu.memory_space<vmem>> -> memref<8192xf32, #tpu.memory_space<vmem>>
    %dma_wait3A_236 = tpu.memref_slice %arg3[%select_n3A, %mul3A_202] : memref<8x65664xf32, #tpu.memory_space<hbm>> -> memref<1x8192xf32, #tpu.memory_space<hbm>>
    %dma_wait3A_237 = tpu.memref_squeeze %dma_wait3A_236 : memref<1x8192xf32, #tpu.memory_space<hbm>> -> memref<8192xf32, #tpu.memory_space<hbm>>
    %dma_wait3A_238 = tpu.memref_slice %arg3[%select_n3A, %mul3A_202] : memref<8x65664xf32, #tpu.memory_space<hbm>> -> memref<1x8192xf32, #tpu.memory_space<hbm>>
    %dma_wait3A_239 = tpu.memref_squeeze %dma_wait3A_238 : memref<1x8192xf32, #tpu.memory_space<hbm>> -> memref<8192xf32, #tpu.memory_space<hbm>>
    %dma_wait3A_240 = arith.constant 0 : i32
    %dma_wait3A_241 = tpu.memref_slice %arg5[%dma_wait3A_240] : memref<16512xf32, #tpu.memory_space<vmem>> -> memref<8192xf32, #tpu.memory_space<vmem>>
    tpu.wait_dma2 semaphore(%arg8 : memref<!tpu.dma_semaphore, #tpu.memory_space<semaphore_mem>>) src(%dma_wait3A_241 : memref<8192xf32, #tpu.memory_space<vmem>>) dst(%dma_wait3A_239 : memref<8192xf32, #tpu.memory_space<hbm>>)
    return
  }
}

module attributes {stable_mosaic.version = 14 : i64} {
  func.func @_pool_body(%arg0: i32, %arg1: memref<1x256x8192xf32, #tpu.memory_space<vmem>>, %arg2: memref<1x16x8192xf32, #tpu.memory_space<vmem>>) attributes {dimension_semantics = [#tpu.dimension_semantics<parallel>], iteration_bounds = array<i64: 8>, scalar_prefetch = 0 : i64, scratch_operands = 0 : i64, tpu.core_type = #tpu.core_type<tc>, window_params = [{transform_indices = @transform_0, window_bounds = array<i64: 1, 256, 8192>}, {transform_indices = @transform_1, window_bounds = array<i64: 1, 16, 8192>}]} {
    %get3A = arith.constant 0 : index
    %get3A_0 = arith.constant 0 : index
    %get3A_1 = arith.constant 0 : index
    %get3A_2 = vector.load %arg1[%get3A, %get3A_0, %get3A_1] : memref<1x256x8192xf32, #tpu.memory_space<vmem>>, vector<1x256x8192xf32>
    %get3A_3 = vector.shape_cast %get3A_2 : vector<1x256x8192xf32> to vector<256x8192xf32>
    %reshape3A = vector.shape_cast %get3A_3 : vector<256x8192xf32> to vector<16x16x8192xf32>
    %reduce_sum3A = arith.constant dense<0.000000e+00> : vector<16x8192xf32>
    %reduce_sum3A_4 = vector.multi_reduction <add>, %reshape3A, %reduce_sum3A [1] : vector<16x16x8192xf32> to vector<16x8192xf32>
    %mul3A = arith.constant 6.250000e-02 : f32
    %mul3A_5 = vector.broadcast %mul3A : f32 to vector<16x8192xf32>
    %mul3A_6 = arith.mulf %reduce_sum3A_4, %mul3A_5 : vector<16x8192xf32>
    %swap3A = arith.constant 0 : index
    %swap3A_7 = arith.constant 0 : index
    %swap3A_8 = arith.constant 0 : index
    %swap3A_9 = vector.load %arg2[%swap3A, %swap3A_7, %swap3A_8] : memref<1x16x8192xf32, #tpu.memory_space<vmem>>, vector<1x16x8192xf32>
    %swap3A_10 = vector.shape_cast %swap3A_9 : vector<1x16x8192xf32> to vector<16x8192xf32>
    %swap3A_11 = vector.shape_cast %mul3A_6 : vector<16x8192xf32> to vector<1x16x8192xf32>
    tpu.vector_store %arg2[%swap3A, %swap3A_7, %swap3A_8], %swap3A_11 {strides = array<i32>} : memref<1x16x8192xf32, #tpu.memory_space<vmem>>, vector<1x16x8192xf32>,
    return
  }
  func.func @transform_0(%arg0: i32) -> (i32, i32, i32) {
    %c0_i32 = arith.constant 0 : i32
    %c0_i32_0 = arith.constant 0 : i32
    %c0_i32_1 = arith.constant 0 : i32
    return %arg0, %c0_i32, %c0_i32_0 : i32, i32, i32
  }
  func.func @transform_1(%arg0: i32) -> (i32, i32, i32) {
    %c0_i32 = arith.constant 0 : i32
    %c0_i32_0 = arith.constant 0 : i32
    %c0_i32_1 = arith.constant 0 : i32
    return %arg0, %c0_i32, %c0_i32_0 : i32, i32, i32
  }
}

</mosaic_0001>

<sc_bundles>
// kernel: kernel.4.cloned.1.call-start
scs
__scs_entry_jumppad:
0x0: {  	(pc) =	sbr.rel $0x88, $3  }
0x1: {  	(tag) =	ssettag $0x0;
	lr =	simm.s32 $0x1  }
0x2: {  	[smem:$0x3FA0] =	sst lr;
	_ =	strace $0xD0000000  }
0x3: {  	_ = 	snop  }
0x4: {  	_ = 	snop  }
0x5: {  	_ = 	snop  }
0x6: {  	_ = 	snop  }
0x7: {  	_ = 	snop  }
__scs_overlays_trampoline_lowered:
0x8: {  	[smem:$0x3FAF] =	sst s0  }
0x9: {  	[smem:$0x3FB0] =	sst s1  }
0xa: {  	[smem:$0x3FB1] =	sst s2  }
0xb: {  	[smem:$0x3FB2] =	sst s3  }
0xc: {  	[smem:$0x3FB3] =	sst s4  }
0xd: {  	[smem:$0x3FB4] =	sst s5  }
0xe: {  	[smem:$0x3FB5] =	sst s6  }
0xf: {  	[smem:$0x3FB6] =	sst s7  }
0x10: {  	[smem:$0x3FB7] =	sst s8  }
0x11: {  	[smem:$0x3FB8] =	sst s9;
	s0 =	simm.s32 @!p0 $0x0  }
0x12: {  	s1 =	sld [smem:$0x3F9E];
	s0 =	simm.s32 @p0 $0x1  }
0x13: {  	[smem:$0x3FB9] =	sst s0;
	s0 =	simm.s32 @!p1 $0x0  }
0x14: {  	s2 =	sld [smem:$0x3F9D];
	s0 =	simm.s32 @p1 $0x1  }
0x15: {  	[smem:$0x3FBA] =	sst s0;
	s0 =	simm.s32 @!p2 $0x0  }
0x16: {  	s3 =	sld [smem:$0x3FDB];
	s0 =	simm.s32 @p2 $0x1  }
0x17: {  	s4 =	simm.s32 $0x1BF5;
	[smem:$0x3FBC] =	sst s0  }
0x18: {  	s0 =	sld [smem:$0x3F9F];
	_ =	swait.ge [sflag:s4], $0x0  }
0x19: {  	s7 =	sld [smem:$0x3FA0]  }
0x1a: {  	s8 =	sadd.s32 $0xFFFFE003, lr  }
0x1b: {  	s9 =	sadd.s32 $0xFFFFFEF7, lr;
	s5 =	simm.s32 $0xFFFFFFFF;
	p2 =	slt.u32 s8, $0xFFFFF086  }
0x1c: {  	p1 =	slt.u32 s9, $0xF7A;
	s5 =	simm.s32 @!p2 $0x0  }
0x1d: {  	s5 =	simm.s32 @p1 $0x1;
	p0 =	seq.s32 s7, s2  }
0x1e: {  	s7 =	smul.u32 @!p0 $0xF7A, s2;
	p2 =	seq.s32 @!p0 s5, $0x0  }
0x1f: {  	s9 =	smul.u32 $0xF7A, s1;
	s8 =	simm.s32 @!p0 $0x1BF5;
	p2 =	por !p2, p0  }
0x20: {  	[sflag:s8] =	ssyncset.s32 @!p0 $0xFFFFF086;
	s6 =	sadd.s32 @!p0 s3, s7;
	s7 =	simm.s32 @!p0 $0x108  }
0x21: {  	s3 =	sadd.s32 s3, s9;
	s6 =	sadd.s32 @!p0 $0x88, s6;
	s7 =	simm.s32 @p2 $0x1082  }
0x22: {  	[simem:s7], [sflag:s8] =	dma.local @!p0 [hbm:s6], $0xF7A  }
0x23: {  	s9 =	sor.u32 $0xD0000000, s2;
	s6 =	simm.s32 $0x108;
	_ =	swait.ge @!p0 [sflag:s8], $0x0  }
0x24: {  	s3 =	sadd.s32 $0x88, s3;
	s6 =	simm.s32 @!p1 $0x1082;
	[sflag:s4] =	ssyncset.s32 $0xFFFFF086  }
0x25: {  	[simem:s6], [sflag:s4] =	dma.local [hbm:s3], $0xF7A  }
0x26: {  	[smem:$0x3FA0] =	sst s1;
	(tag) =	ssettag s2;
	_ =	strace s9  }
0x27: {  	s1 =	sld [smem:$0x3FB0]  }
0x28: {  	s2 =	sld [smem:$0x3FB1]  }
0x29: {  	s4 =	sld [smem:$0x3FB3]  }
0x2a: {  	p0 =	seq.s32 s5, $0x0;
	s5 =	sld [smem:$0x3FB4]  }
0x2b: {  	s6 =	sld [smem:$0x3FB5]  }
0x2c: {  	s7 =	sld [smem:$0x3FB6]  }
0x2d: {  	s3 =	simm.s32 $0x108;
	s8 =	sld [smem:$0x3FB7]  }
0x2e: {  	s3 =	simm.s32 @!p0 $0x1082;
	s9 =	sld [smem:$0x3FB8]  }
0x2f: {  	lr =	sadd.s32 s0, s3;
	s0 =	sld [smem:$0x3FAF]  }
0x30: {  	s3 =	sld [smem:$0x3FB2]  }
0x31: {  	[smem:$0x3FBB] =	sst s10  }
0x32: {  	s10 =	sld [smem:$0x3FB9];
	_ =	sdelay $0x3  }
0x33: {  	p0 =	seq.s32 s10, $0x1;
	s10 =	sld [smem:$0x3FBB];
	_ =	sdelay $0x3  }
0x34: {  	[smem:$0x3FBB] =	sst s10  }
0x35: {  	s10 =	sld [smem:$0x3FBA];
	_ =	sdelay $0x3  }
0x36: {  	p1 =	seq.s32 s10, $0x1;
	s10 =	sld [smem:$0x3FBB];
	_ =	sdelay $0x3  }
0x37: {  	[smem:$0x3FBB] =	sst s10  }
0x38: {  	s10 =	sld [smem:$0x3FBC]  }
0x39: {  	_ = 	snop;
	(pc) =	sbr.ind lr, $3  }
0x3a: {  	_ = 	snop  }
0x3b: {  	_ = 	snop  }
0x3c: {  	p2 =	seq.s32 s10, $0x1;
	s10 =	sld [smem:$0x3FBB]  }
0x3d: {  	_ =	shalt  }
0x3e: {  	_ =	shalt  }
0x3f: {  	_ =	shalt  }
0x40: {  	_ =	shalt  }
0x41: {  	_ =	shalt  }
0x42: {  	_ =	shalt  }
0x43: {  	_ =	shalt  }
0x44: {  	_ =	shalt  }
0x45: {  	_ =	shalt  }
0x46: {  	_ =	shalt  }
0x47: {  	_ =	shalt  }
0x48: {  	_ =	shalt  }
0x49: {  	_ =	shalt  }
0x4a: {  	_ =	shalt  }
0x4b: {  	_ =	shalt  }
0x4c: {  	_ =	shalt  }
0x4d: {  	_ =	shalt  }
0x4e: {  	_ =	shalt  }
0x4f: {  	_ =	shalt  }
0x50: {  	_ =	shalt  }
0x51: {  	_ =	shalt  }
0x52: {  	_ =	shalt  }
0x53: {  	_ =	shalt  }
0x54: {  	_ =	shalt  }
0x55: {  	_ =	shalt  }
0x56: {  	_ =	shalt  }
0x57: {  	_ =	shalt  }
0x58: {  	_ =	shalt  }
0x59: {  	_ =	shalt  }
0x5a: {  	_ =	shalt  }
0x5b: {  	_ =	shalt  }
0x5c: {  	_ =	shalt  }
0x5d: {  	_ =	shalt  }
0x5e: {  	_ =	shalt  }
0x5f: {  	_ =	shalt  }
0x60: {  	_ =	shalt  }
0x61: {  	_ =	shalt  }
0x62: {  	_ =	shalt  }
0x63: {  	_ =	shalt  }
0x64: {  	_ =	shalt  }
0x65: {  	_ =	shalt  }
0x66: {  	_ =	shalt  }
0x67: {  	_ =	shalt  }
0x68: {  	_ =	shalt  }
0x69: {  	_ =	shalt  }
0x6a: {  	_ =	shalt  }
0x6b: {  	_ =	shalt  }
0x6c: {  	_ =	shalt  }
0x6d: {  	_ =	shalt  }
0x6e: {  	_ =	shalt  }
0x6f: {  	_ =	shalt  }
0x70: {  	_ =	shalt  }
0x71: {  	_ =	shalt  }
0x72: {  	_ =	shalt  }
0x73: {  	_ =	shalt  }
0x74: {  	_ =	shalt  }
0x75: {  	_ =	shalt  }
0x76: {  	_ =	shalt  }
0x77: {  	_ =	shalt  }
0x78: {  	_ =	shalt  }
0x79: {  	_ =	shalt  }
0x7a: {  	_ =	shalt  }
0x7b: {  	_ =	shalt  }
0x7c: {  	_ =	shalt  }
0x7d: {  	_ =	shalt  }
0x7e: {  	_ =	shalt  }
0x7f: {  	_ =	shalt  }
0x80: {  	_ =	shalt  }
0x81: {  	_ =	shalt  }
0x82: {  	_ =	shalt  }
0x83: {  	_ =	shalt  }
0x84: {  	_ =	shalt  }
0x85: {  	_ =	shalt  }
0x86: {  	_ =	shalt  }
0x87: {  	_ =	shalt  }
.Lfunc_end0:
.L_simem_size_0:
called_computation_lowered:
.L_overlay_start_0:
0x88: {  	s2 =	sld [smem:$0x3FD9]  }
0x89: {  	s3 =	sld [smem:$0x3FFE];
	_ =	sdelay $0x1  }
0x8a: {  	s1 =	srdreg.scid  }
0x8b: {  	s0 =	sand.u32 $0x1, s1  }
0x8c: {  	s16 =	sshll.u32 s0, $0xA;
	s2 =	sadd.s32 s3, s2  }
0x8d: {  	s2 =	sadd.s32 s2, s16  }
0x8e: {  	[smem:$0x3FC7] =	sst s2  }
0x8f: {  	_ = 	snop  }
0x90: {  	(tm) =	ssettm $0x1  }
0x91: {  	s17 =	sld [smem:$0x3FFB];
	_ =	sdelay $0x3  }
0x92: {  	_ =	strace s17  }
0x93: {  	s2 =	sld [smem:$0x3FFC];
	_ =	sdelay $0x3  }
0x94: {  	_ =	strace s2  }
0x95: {  	s2 =	sld [smem:$0x3FFD];
	_ =	sdelay $0x3  }
0x96: {  	_ =	strace s2  }
0x97: {  	_ =	strace $0x8FFFFFFF  }
0x98: {  	s18 =	sld [smem:$0x3FDB];
	_ =	sdelay $0x1  }
0x99: {  	s19 =	simm.s32 $_scs_section_size  }
0x9a: {  	s4 =	simm.s32 $_size__tile_overlayer_lowered;
	s5 =	simm.s32 $_tile_overlayer_lowered  }
0x9b: {  	s22 =	simm.s32 $0x1BFF;
	s21 =	sshll.u32 s5, $0x1;
	s2 =	sadd.s32 s19, s18  }
0x9c: {  	s6 =	simm.s32 $0x0;
	s20 =	sshll.u32 s4, $0x1;
	s4 =	sadd.s32 s21, s2  }
0x9d: {  	[timem:s6], [sflag:s22] =	dma.local [hbm:s4], s20  }
0x9e: {  	_ =	swait.ge [sflag:s22], s20  }
0x9f: {  	s3 =	ssub.s32 $0x0, s20;
	[sflag:s22] =	ssyncset.done $0x0  }
0xa0: {  	[sflag:s22] =	ssyncadd.s32 s3;
	_ =	sdelay $0x1  }
0xa1: {  	s23 =	simm.s32 $0x1B8B  }
0xa2: {  	_ =	swait.ge [sflag:s23], $0x1  }
0xa3: {  	[sflag:s23] =	ssyncset.done $0x0  }
0xa4: {  	s25 =	simm.s32 $0x1B8E;
	s24 =	sld [smem:$0x3FFE];
	[sflag:s23] =	ssyncadd.s32 $0xFFFFFFFF  }
0xa5: {  	s26 =	simm.s32 $execute0_lowered;
	[smem:$0x3FD2] =	sst s25  }
0xa6: {  	s4 =	sshll.u32 s26, $0x1;
	_ =	strace $0x80000046;
	[dreg:$0x1] =	wrdreg $0xFFFFFFFF  }
0xa7: {  	s28 =	simm.s32 $_size_execute0_lowered;
	s2 =	sadd.s32 s2, s4;
	[dreg:$0x0] =	wrdreg $0x0  }
0xa8: {  	s4 =	sshll.u32 s28, $0x1;
	[dreg:$0x2] =	wrdreg s2  }
0xa9: {  	[dreg:$0x3] =	wrdreg s4  }
0xaa: {  	[dreg:$0x4] =	wrdreg $0xC0  }
0xab: {  	_ =	task [dreg:s6], $0x5FFFF  }
0xac: {  	[dreg:$0x1] =	wrdreg $0xFFFFFFFF  }
0xad: {  	[dreg:$0x0] =	wrdreg $0x60  }
0xae: {  	[dreg:$0x2] =	wrdreg s24  }
0xaf: {  	[dreg:$0x3] =	wrdreg $0x9  }
0xb0: {  	_ =	task.clear_ibuf [dreg:s6], $0x4FFFF;
	_ =	strace $0x90000046  }
0xb1: {  	s29 =	simm.s32 $0x9;
	_ =	strace $0x80000048  }
0xb2: {  	_ =	swait.ge [sflag:s29], $0x1  }
0xb3: {  	[sflag:s29] =	ssyncadd.s32 $0xFFFFFFFF  }
0xb4: {  	_ =	strace $0x90000048  }
0xb5: {  	_ =	sfence  }
0xb6: {  	s30 =	sld [smem:$0x0];
	_ =	sdelay $0x2  }
0xb7: {  	s31 =	sshll.u32 s1, $0xD;
	s1 =	sshrl.u32 s1, $0x2  }
0xb8: {  	s3 =	sand.u32 $0x4000, s31;
	s1 =	sadd.s32 s1, s30  }
0xb9: {  	s0 =	sor.u32 s3, s0;
	s1 =	sshll.u32 s1, $0x11  }
0xba: {  	s0 =	sor.u32 s1, s0  }
0xbb: {  	s0 =	sadd.s32 $0x8F2B, s0  }
0xbc: {  	[sflag:s0] =	ssyncadd.remote.s32 $0x1  }
0xbd: {  	_ =	sfence.sel $0xFFFF  }
0xbe: {  	[dreg:$0x0] =	wrdreg $0xFFFFFFFF;
	(pc) =	sbr.abs _section_cstart, $3  }
0xbf: {  	[dreg:$0x1] =	wrdreg $0xFFFFFFFF  }
0xc0: {  	_ =	task.clear_ibuf [dreg:s6], $0x2FFFF;
	_ =	strace $0x9FFFFFFF  }
0xc1: {  	(tm) =	ssettm $0x7FFFFFFF  }
tec
execute0_lowered:
.L_overlay_start_1:
0x0: {  	(tag) =	ssettag $0x1  }
0x1: {  	s0 =	srdreg.scid  }
0x2: {  	s21 =	stileid.u32;
	s5 =	rddreg [dreg:$0x0]  }
0x3: {  	s2 =	simm.s32 $0x0;
	s6 =	simm.s32 $0x1;
	s14 =	simm.s32 $0x6C00  }
0x4: {  	s15 =	simm.s32 $0x80;
	s16 =	simm.s32 $0x400;
	s17 =	simm.s32 $0x9000  }
0x5: {  	s18 =	simm.s32 $0x2;
	s20 =	simm.s32 $0x4;
	s3 =	sand.u32 $0x1, s0  }
0x6: {  	v1 =	vlaneseq.u32;
	v4 =	vimm.s32 $0x4781;
	vm0 =	vcmask $0x300;
	s19 =	sand.u32 $0x3, s21;
	[smem:$0x7FF] =	sst s2;
	s1 =	sshll.u32 s3, $0x4  }
0x7: {  	v5 =	vimm.s32 $0x8F80;
	vm1 =	vcmask $0x704;
	vm15 =	vcmask $0xB08;
	s7 =	sadd.s32 $0x600, s5;
	s9 =	sadd.s32 $0x20600, s5;
	s4 =	sor.u32 s21, s1  }
0x8: {  	vm4 =	vcmask $0xF0C;
	vm5 =	vcmask $0x1310;
	vm6 =	vcmask $0x1714;
	p1 =	sne.s32 s19, $0x0;
	_ =	strace $0x80000047;
	p0 =	seq.s32 s4, $0x0  }
0x9: {  	vm7 =	vcmask $0x1B18;
	v4 =	vsel vm0, $0x4400, v4;
	v5 =	vsel vm0, $0x887F, v5;
	s3 =	ssub.s32 $0x2, s3;
	s22 =	sshll.u32 s19, $0xE;
	p0 =	por !p1, !p0  }
0xa: {  	vm8 =	vcmask $0x1F1C;
	v4 =	vsel vm1, $0x4480, v4;
	v5 =	vsel vm1, $0x88FF, v5;
	s29 =	sshll.u32 s19, $0x11;
	s23 =	sshrl.u32 s3, $0x1;
	p0 =	por !p0, !p0  }
0xb: {  	vm9 =	vcmask $0x2320;
	v4 =	vsel vm15, $0x4500, v4;
	v5 =	vsel vm15, $0x897F, v5;
	s21 =	simm.s32 $0x3;
	s4 =	sshrl.u32 s4, $0x2;
	s6 =	simm.s32 @!p0 $0x0  }
0xc: {  	vm10 =	vcmask $0x2724;
	s10 =	ssub.s32 s3, s23;
	v4 =	vsel vm4, $0x4580, v4;
	v5 =	vsel vm4, $0x89FF, v5;
	p1 =	sne.s32 s19, $0x3;
	s6 =	ssub.s32 s4, s6  }
0xd: {  	vm11 =	vcmask $0x2B28;
	v4 =	vsel vm5, $0x4600, v4;
	v5 =	vsel vm5, $0x8A7F, v5;
	p0 =	seq.s32 s19, $0x0;
	s19 =	simm.s32 $0xB000;
	s8 =	sshll.u32 s6, $0x11  }
0xe: {  	vm12 =	vcmask $0x2F2C;
	v4 =	vsel vm6, $0x4680, v4;
	v5 =	vsel vm6, $0x8AFF, v5;
	s25 =	sshll.u32 s6, $0xE;
	s26 =	sshrl.u32 s6, $0x3;
	s6 =	sshll.u32 s6, $0x7  }
0xf: {  	vm13 =	vcmask $0x3330;
	v4 =	vsel vm7, $0x4700, v4;
	v5 =	vsel vm7, $0x8B7F, v5;
	s8 =	sor.u32 s8, s22;
	s4 =	sand.u32 $0x1FFFC000, s25;
	s11 =	smul.u32 $0x80400, s26  }
0x10: {  	vm14 =	vcmask $0x3734;
	v4 =	vsel vm8, $0x4780, v4;
	v5 =	vsel vm8, $0x8BFF, v5;
	s6 =	sand.u32 $0x380, s6;
	s22 =	simm.s32 $0x0;
	s24 =	sadd.s32 $0xFFFFFC00, s8  }
0x11: {  	v0 =	vshrl.u32 v1, $0x3;
	v4 =	vsel vm9, $0x4401, v4;
	v5 =	vsel vm9, $0x8C00, v5;
	s4 =	sadd.s32 s7, s4;
	s28 =	sor.u32 $0x2000, s8;
	s3 =	sshrl.u32 s24, $0x3  }
0x12: {  	v2 =	vand.u32 $0x7, v1;
	v4 =	vsel vm10, $0x4481, v4;
	v5 =	vsel vm10, $0x8C80, v5;
	s5 =	sshrl.u32 s28, $0x3;
	s8 =	sadd.s32 s29, s11;
	s3 =	sadd.s32 s7, s3  }
0x13: {  	v1 =	vimm.f32 $0.0e+00;
	v4 =	vsel vm11, $0x4501, v4;
	v5 =	vsel vm11, $0x8D00, v5;
	s5 =	sadd.s32 s7, s5;
	s30 =	sor.u32 s6, s8;
	s6 =	sor.u32 s6, s11  }
0x14: {  	v2 =	vmul.u32 $0x80, v2;
	v4 =	vsel vm12, $0x4581, v4;
	v5 =	vsel vm12, $0x8D80, v5;
	s8 =	sshrl.u32 s30, $0x3;
	s7 =	sadd.s32 $0x10000, s30;
	s11 =	sadd.s32 $0x80000, s6  }
0x15: {  	v3 =	vadd.s32 $0xFFFFFFFF, v0;
	v4 =	vsel vm13, $0x4601, v4;
	v5 =	vsel vm13, $0x8E00, v5;
	s13 =	sadd.s32 $0x2000, s5;
	s6 =	sadd.s32 s9, s8;
	s7 =	sshrl.u32 s7, $0x3  }
0x16: {  	vm15 =	vcmask $0x3B38;
	v6 =	vsel vm14, $0x4681, v4;
	v7 =	vsel vm14, $0x8E80, v5;
	s31 =	sshrl.u32 s11, $0x3;
	s11 =	sadd.s32 @!p0 $0x2000, s3;
	s7 =	sadd.s32 s9, s7  }
0x17: {  	v4 =	vor.u32 $0x4800, v2;
	v5 =	vsel vm15, $0x4701, v6;
	v6 =	vsel vm15, $0x8F00, v7;
	s8 =	sadd.s32 s9, s31;
	s9 =	smax.u32 s10, $0x1;
	s10 =	sadd.s32 @p0 $0x2000, s4  }
.LBB2_1:
0x18: {  	[tilespmem:$0x70] =	vst v1  }
0x19: {  	[tilespmem:$0x4400] =	vst v1  }
0x1a: {  	[tilespmem:$0xF0] =	vst v1  }
0x1b: {  	[tilespmem:$0x4480] =	vst v1  }
0x1c: {  	[tilespmem:$0x170] =	vst v1  }
0x1d: {  	[tilespmem:$0x4500] =	vst v1  }
0x1e: {  	[tilespmem:$0x1F0] =	vst v1  }
0x1f: {  	[tilespmem:$0x4580] =	vst v1  }
0x20: {  	[tilespmem:$0x270] =	vst v1  }
0x21: {  	[tilespmem:$0x4600] =	vst v1  }
0x22: {  	[tilespmem:$0x2F0] =	vst v1  }
0x23: {  	[tilespmem:$0x4680] =	vst v1  }
0x24: {  	[tilespmem:$0x370] =	vst v1  }
0x25: {  	[tilespmem:$0x4700] =	vst v1  }
0x26: {  	[tilespmem:$0x3F0] =	vst v1  }
0x27: {  	[tilespmem:$0x4780] =	vst v1  }
0x28: {  	[tilespmem:$0x4870] =	vst v1  }
0x29: {  	[tilespmem:$0x8C00] =	vst v1  }
0x2a: {  	[tilespmem:$0x48F0] =	vst v1  }
0x2b: {  	[tilespmem:$0x8C80] =	vst v1  }
0x2c: {  	[tilespmem:$0x4970] =	vst v1  }
0x2d: {  	[tilespmem:$0x8D00] =	vst v1  }
0x2e: {  	[tilespmem:$0x49F0] =	vst v1;
	v7 =	vor.u32 s15, v0;
	s25 =	simm.s32 $0x82  }
0x2f: {  	[tilespmem:$0x8D80] =	vst v1;
	s23 =	simm.s32 $0x84;
	s24 =	simm.s32 $0x86;
	v60 =	vadd.s32 s15, v3;
	v8 =	vand.u32 $0x71, v7;
	v7 =	vmov s25  }
0x30: {  	[tilespmem:$0x4A70] =	vst v1;
	s26 =	simm.s32 $0x8C;
	s28 =	simm.s32 $0x88;
	v9 =	vadd.s32 s25, v3;
	v10 =	vadd.s32 s23, v3;
	v11 =	vmov s24  }
0x31: {  	[tilespmem:$0x8E00] =	vst v1;
	s31 =	simm.s32 $0x8A;
	v12 =	vor.u32 s26, v0;
	v14 =	vmov s28;
	v15 =	vadd.s32 s28, v3  }
0x32: {  	[tilespmem:$0x4AF0] =	vst v1;
	s12 =	simm.s32 $0x8E;
	v17 =	vadd.s32 s31, v3;
	v18 =	vor.u32 s23, v0;
	v20 =	vmov s31  }
0x33: {  	[tilespmem:$0x8E80] =	vst v1;
	v21 =	vadd.s32 s26, v3;
	v22 =	vor.u32 s25, v0;
	v23 =	vmov s12  }
0x34: {  	[tilespmem:$0x4B70] =	vst v1;
	v24 =	vadd.s32 s24, v3;
	v25 =	vmov s26;
	v26 =	vadd.s32 s12, v3  }
0x35: {  	[tilespmem:$0x8F00] =	vst v1;
	v27 =	vor.u32 s28, v0;
	v30 =	vor.u32 s12, v0;
	v57 =	vor.u32 s31, v0  }
0x36: {  	[tilespmem:$0x4BF0] =	vst v1;
	v31 =	vor.u32 s24, v0;
	v33 =	vmov s23;
	v13 =	vand.u32 $0x7F, v9  }
0x37: {  	[tilespmem:$0x8F80] =	vst v1;
	s29 =	simm.s32 @p0 $0x0;
	s30 =	simm.s32 @p0 $0x400;
	v16 =	vshll.u32 v10, $0x3;
	v19 =	vshll.u32 v17, $0x3;
	v12 =	vand.u32 $0x7D, v12  }
0x38: {  	[tilespmem:s30], [sflag:$0x1] =	stream.linear.gather @p0 [hbm4b:s4+s29], $0x2000, $0x38;
	v17 =	vand.u32 $0x7F, v17;
	v22 =	vand.u32 $0x73, v22;
	v23 =	vshll.u32 v23, $0x3;
	[tilespmem:$0xD080] =	vst v63  }
0x39: {  	s30 =	simm.s32 @p0 $0x4C00;
	v11 =	vshll.u32 v11, $0x3;
	v28 =	vand.u32 $0x7F, v26;
	v29 =	vshll.u32 v7, $0x3  }
0x3a: {  	v27 =	vand.u32 $0x79, v27;
	v7 =	vshll.u32 v26, $0x3;
	v56 =	vshll.u32 v15, $0x3;
	[tilespmem:s30], [sflag:$0x1] =	stream.linear.gather @p0 [hbm4b:s10+s29], $0x2000, $0x38;
	[tilespmem:$0xD080] =	vst v63  }
0x3b: {  	v30 =	vand.u32 $0x7F, v30;
	v20 =	vshll.u32 v20, $0x3;
	v32 =	vand.u32 $0x75, v18;
	s29 =	simm.s32 @!p0 $0x0  }
0x3c: {  	v18 =	vshll.u32 v60, $0x3;
	v61 =	vshll.u32 v33, $0x3;
	v7 =	vand.u32 $0xFFFFFC00, v7;
	[tilespmem:s29], [sflag:$0x1] =	stream.linear.gather @!p0 [hbm4b:s3+s29], $0x2400, $0x38;
	[tilespmem:$0xD080] =	vst v63  }
0x3d: {  	s25 =	simm.s32 @!p0 $0x4800;
	v14 =	vshll.u32 v14, $0x3;
	v9 =	vshll.u32 v9, $0x3;
	v7 =	vor.u32 v28, v7  }
0x3e: {  	v16 =	vand.u32 $0xFFFFFC00, v16;
	v19 =	vand.u32 $0xFFFFFC00, v19;
	v58 =	vadd.s32 v4, v7;
	[tilespmem:s25], [sflag:$0x1] =	stream.linear.gather @!p0 [hbm4b:s11+s29], $0x2400, $0x38;
	[tilespmem:$0xD080] =	vst v63  }
0x3f: {  	s0 =	simm.s32 $0x2400;
	v7 =	vand.u32 $0x7F, v10;
	v10 =	vand.u32 $0x7F, v24;
	v24 =	vshll.u32 v24, $0x3  }
0x40: {  	v23 =	vand.u32 $0x3C00, v23;
	v18 =	vand.u32 $0xFFFFFC00, v18;
	v24 =	vand.u32 $0xFFFFFC00, v24;
	[tilespmem:s0], [sflag:$0x2] =	stream.linear.gather [hbm4b:s5+s2], $0x2000, $0x38;
	[tilespmem:$0xD080] =	vst v63  }
0x41: {  	v14 =	vand.u32 $0x3C00, v14;
	v7 =	vor.u32 v7, v16;
	s25 =	simm.s32 @p0 $0x1;
	v10 =	vor.u32 v10, v24  }
0x42: {  	v59 =	vadd.s32 v4, v7;
	v7 =	vadd.s32 v4, v10;
	v10 =	vmov s15;
	[tilespmem:s14], [sflag:$0x2] =	stream.linear.gather [hbm4b:s13+s2], $0x2000, $0x38;
	[tilespmem:$0xD080] =	vst v63  }
0x43: {  	v9 =	vand.u32 $0xFFFFFC00, v9;
	v23 =	vor.u32 v30, v23;
	v10 =	vshll.u32 v10, $0x3;
	_ =	swait.ge @p0 [sflag:s25], $0x4000  }
0x44: {  	v28 =	vand.u32 $0x7B, v57;
	v17 =	vor.u32 v17, v19;
	v10 =	vand.u32 $0x3C00, v10;
	[sflag:s25] =	ssyncset.done @p0 $0x0  }
0x45: {  	s24 =	simm.s32 @!p0 $0x1;
	v9 =	vor.u32 v13, v9;
	v23 =	vor.u32 v2, v23;
	v8 =	vor.u32 v8, v10;
	[sflag:s25] =	ssyncadd.s32 @p0 $0xFFFFC000  }
0x46: {  	v16 =	vand.u32 $0xFFFFFC00, v56;
	v10 =	vand.u32 $0x7F, v60;
	v62 =	vor.u32 v2, v8;
	_ =	swait.ge @!p0 [sflag:s24], $0x4800  }
0x47: {  	v8 =	vand.u32 $0x3C00, v11;
	v11 =	vshll.u32 v25, $0x3;
	v10 =	vor.u32 v10, v18;
	[sflag:s24] =	ssyncset.done @!p0 $0x0  }
0x48: {  	v18 =	vand.u32 $0x7F, v15;
	v15 =	vadd.s32 v4, v10;
	v10 =	vand.u32 $0x77, v31;
	[sflag:s24] =	ssyncadd.s32 @!p0 $0xFFFFB800  }
0x49: {  	v8 =	vor.u32 v10, v8;
	v10 =	vand.u32 $0x3C00, v20;
	v20 =	vand.u32 $0x3C00, v11;
	v30 =	vld.idx.msk [tilespmem:v58+s2+$0x0], $0xffff  }
0x4a: {  	v63 =	vor.u32 v18, v16;
	v11 =	vor.u32 v2, v8;
	v8 =	vor.u32 v12, v20;
	v23 =	vld.idx.msk [tilespmem:v23+s2+$0x0], $0xffff  }
0x4b: {  	v20 =	vor.u32 v27, v14;
	v10 =	vor.u32 v28, v10;
	v14 =	vshll.u32 v21, $0x3  }
0x4c: {  	v16 =	vor.u32 v2, v8;
	v8 =	vand.u32 $0x7F, v21;
	v21 =	vand.u32 $0x3C00, v61  }
0x4d: {  	v18 =	vand.u32 $0xFFFFFC00, v14;
	v14 =	vadd.s32 v4, v17;
	v17 =	vand.u32 $0x3C00, v29  }
0x4e: {  	v13 =	vor.u32 v2, v10;
	v20 =	vor.u32 v2, v20;
	v8 =	vor.u32 v8, v18  }
0x4f: {  	v17 =	vor.u32 v22, v17;
	v19 =	vadd.s32 v4, v8;
	v12 =	vadd.f32 v30, v23  }
0x50: {  	s23 =	simm.s32 $0x9040;
	v8 =	vld.idx.msk [tilespmem:v59+s2+$0x0], $0xffff;
	v18 =	vor.u32 v2, v17;
	v17 =	vadd.s32 v4, v9;
	v9 =	vor.u32 v32, v21  }
0x51: {  	s26 =	simm.s32 $0x90C0;
	s25 =	simm.s32 $0x90;
	s24 =	simm.s32 $0x0;
	v22 =	vadd.s32 v4, v63;
	v21 =	vor.u32 v2, v9;
	[tilespmem:s23+$0x30] =	vst v12;
	v12 =	vld.idx.msk [tilespmem:v62+s2+$0x0], $0xffff  }
.LBB2_2:
0x52: {  	v9 =	vor.u32 s25, v0;
	s31 =	sadd.s32 $0x2, s25;
	s28 =	sadd.s32 $0x4, s25;
	s1 =	sadd.s32 $0xC, s25;
	v15 =	vld.idx.msk [tilespmem:v15+s2+$0x0], $0xffff  }
0x53: {  	s29 =	sadd.s32 $0x6, s25;
	s24 =	sadd.s32 $0x8, s24;
	v23 =	vand.u32 $0x71, v9;
	v24 =	vmov s31;
	v9 =	vadd.s32 s31, v3;
	v16 =	vld.idx.msk [tilespmem:v16+s2+$0x0], $0xffff  }
0x54: {  	s0 =	sadd.s32 $0x8, s25;
	s30 =	sadd.s32 $0xA, s25;
	v25 =	vadd.s32 s28, v3;
	v26 =	vmov s29;
	v27 =	vor.u32 s1, v0;
	p2 =	slt.u32 s24, $0x1F8;
	v19 =	vld.idx.msk [tilespmem:v19+s2+$0x0], $0xffff  }
0x55: {  	v28 =	vmov s0;
	v29 =	vadd.s32 s0, v3;
	v10 =	vand.u32 $0x7F, v9  }
0x56: {  	v30 =	vor.u32 s28, v0;
	v32 =	vadd.s32 s30, v3;
	v31 =	vshll.u32 v25, $0x3;
	v22 =	vld.idx.msk [tilespmem:v22+s2+$0x0], $0xffff  }
0x57: {  	v33 =	vshll.u32 v32, $0x3;
	v27 =	vand.u32 $0x7D, v27;
	v31 =	vand.u32 $0xFFFFFC00, v31;
	v21 =	vld.idx.msk [tilespmem:v21+s2+$0x0], $0xffff  }
0x58: {  	s12 =	sadd.s32 $0xE, s25;
	v34 =	vmov s30;
	v35 =	vadd.s32 s1, v3;
	v33 =	vand.u32 $0xFFFFFC00, v33;
	v20 =	vld.idx.msk [tilespmem:v20+s2+$0x0], $0xffff  }
0x59: {  	v36 =	vor.u32 s31, v0;
	v37 =	vmov s12;
	v32 =	vand.u32 $0x7F, v32;
	v18 =	vld.idx.msk [tilespmem:v18+s2+$0x0], $0xffff  }
0x5a: {  	v38 =	vadd.s32 s29, v3;
	v39 =	vmov s1;
	v40 =	vadd.s32 s12, v3;
	v17 =	vld.idx.msk [tilespmem:v17+s2+$0x0], $0xffff  }
0x5b: {  	v41 =	vor.u32 s0, v0;
	v36 =	vand.u32 $0x73, v36;
	v37 =	vshll.u32 v37, $0x3;
	v14 =	vld.idx.msk [tilespmem:v14+s2+$0x0], $0xffff  }
0x5c: {  	v26 =	vshll.u32 v26, $0x3;
	v42 =	vand.u32 $0x7F, v40;
	v16 =	vadd.f32 v19, v16  }
0x5d: {  	v40 =	vshll.u32 v40, $0x3;
	v19 =	vshll.u32 v24, $0x3;
	v24 =	vand.u32 $0x79, v41;
	v11 =	vld.idx.msk [tilespmem:v11+s2+$0x0], $0xffff  }
0x5e: {  	v37 =	vand.u32 $0x3C00, v37;
	v41 =	vshll.u32 v29, $0x3;
	v20 =	vadd.f32 v22, v20;
	[tilespmem:s23+$0x20] =	vst v16  }
0x5f: {  	v8 =	vadd.f32 v8, v21;
	v22 =	vand.u32 $0xFFFFFC00, v40;
	v16 =	vor.u32 s12, v0  }
0x60: {  	v21 =	vor.u32 v42, v22;
	v16 =	vand.u32 $0x7F, v16;
	v17 =	vadd.f32 v17, v18;
	v18 =	vld.idx.msk [tilespmem:v7+s2+$0x0], $0xffff;
	[tilespmem:s23+$0x0] =	vst v20  }
0x61: {  	v7 =	vor.u32 s30, v0;
	v16 =	vor.u32 v16, v37;
	v20 =	vadd.s32 v4, v21;
	[tilespmem:s23+$0xFFFFFFE0] =	vst v8  }
0x62: {  	v22 =	vshll.u32 v34, $0x3;
	v21 =	vand.u32 $0x7B, v7;
	v8 =	vor.u32 v2, v16;
	[tilespmem:s23+$0xFFFFFFD0] =	vst v17;
	v13 =	vld.idx.msk [tilespmem:v13+s2+$0x0], $0xffff  }
0x63: {  	v7 =	vand.u32 $0x7F, v25;
	v16 =	vand.u32 $0x7F, v38;
	v17 =	vshll.u32 v38, $0x3  }
0x64: {  	v34 =	vand.u32 $0xFFFFFC00, v41;
	v25 =	vor.u32 s29, v0;
	v17 =	vand.u32 $0xFFFFFC00, v17  }
0x65: {  	v12 =	vadd.f32 v15, v12;
	v7 =	vor.u32 v7, v31;
	v16 =	vor.u32 v16, v17  }
0x66: {  	v15 =	vadd.s32 v4, v7;
	v7 =	vadd.s32 v4, v16;
	v11 =	vadd.f32 v18, v11;
	v17 =	vld.idx.msk [tilespmem:v20+s2+$0x0], $0xffff  }
0x67: {  	v16 =	vmov s25;
	v18 =	vadd.s32 s25, v3;
	v20 =	vand.u32 $0x75, v30;
	[tilespmem:s23+$0xFFFFFFC0] =	vst v12  }
0x68: {  	v30 =	vmov s28;
	v12 =	vshll.u32 v16, $0x3;
	v16 =	vshll.u32 v18, $0x3;
	v31 =	vld.idx.msk [tilespmem:v8+s2+$0x0], $0xffff;
	[tilespmem:s23+$0xFFFFFFF0] =	vst v11  }
0x69: {  	v8 =	vand.u32 $0x3C00, v12;
	v11 =	vand.u32 $0xFFFFFC00, v16;
	v12 =	vadd.f32 v14, v13  }
0x6a: {  	v13 =	vand.u32 $0x7F, v18;
	v14 =	vshll.u32 v30, $0x3;
	v8 =	vor.u32 v23, v8  }
0x6b: {  	v16 =	vand.u32 $0x3C00, v26;
	v23 =	vshll.u32 v39, $0x3;
	v18 =	vor.u32 v2, v8;
	[tilespmem:s23+$0x10] =	vst v12;
	s23 =	smov.u32 s26  }
0x6c: {  	v11 =	vor.u32 v13, v11;
	v13 =	vand.u32 $0x7F, v29;
	v12 =	vshll.u32 v28, $0x3;
	v8 =	vld.idx.msk [tilespmem:v15+s2+$0x0], $0xffff  }
0x6d: {  	v15 =	vadd.s32 v4, v11;
	v11 =	vand.u32 $0x77, v25;
	v12 =	vand.u32 $0x3C00, v12  }
0x6e: {  	v22 =	vand.u32 $0x3C00, v22;
	v11 =	vor.u32 v11, v16;
	v16 =	vand.u32 $0x3C00, v23  }
0x6f: {  	v23 =	vor.u32 v13, v34;
	v11 =	vor.u32 v2, v11;
	v13 =	vor.u32 v27, v16  }
0x70: {  	v24 =	vor.u32 v24, v12;
	v12 =	vadd.f32 v17, v31;
	v16 =	vor.u32 v2, v13  }
0x71: {  	v17 =	vand.u32 $0x7F, v35;
	v13 =	vor.u32 v21, v22;
	v21 =	vshll.u32 v35, $0x3  }
0x72: {  	v22 =	vand.u32 $0x3C00, v14;
	v14 =	vor.u32 v32, v33;
	v21 =	vand.u32 $0xFFFFFC00, v21;
	[tilespmem:s26+$0x30] =	vst v12  }
.Ltmp0:
0x73: {  	v9 =	vshll.u32 v9, $0x3;
	v14 =	vadd.s32 v4, v14;
	v12 =	vor.u32 v17, v21;
	(pc) =	sbr.rel @p2 .LBB2_2-.Ltmp0, $4  }
0x74: {  	v9 =	vand.u32 $0xFFFFFC00, v9;
	v17 =	vand.u32 $0x3C00, v19;
	v19 =	vadd.s32 v4, v12  }
0x75: {  	v9 =	vor.u32 v10, v9;
	v13 =	vor.u32 v2, v13;
	v17 =	vor.u32 v36, v17  }
0x76: {  	v12 =	vld.idx.msk [tilespmem:v18+s2+$0x0], $0xffff;
	v18 =	vor.u32 v2, v17;
	v17 =	vadd.s32 v4, v9;
	v9 =	vor.u32 v20, v22  }
0x77: {  	s25 =	sadd.s32 $0x10, s25;
	s26 =	sadd.s32 $0x80, s26;
	v20 =	vor.u32 v2, v24;
	v22 =	vadd.s32 v4, v23;
	v21 =	vor.u32 v2, v9  }
0x78: {  	_ =	sdelay $0x3  }
0x79: {  	v9 =	vld.idx.msk [tilespmem:v15+s2+$0x0], $0xffff  }
0x7a: {  	v10 =	vld.idx.msk [tilespmem:v16+s2+$0x0], $0xffff  }
0x7b: {  	v15 =	vld.idx.msk [tilespmem:v19+s2+$0x0], $0xffff  }
0x7c: {  	v16 =	vld.idx.msk [tilespmem:v22+s2+$0x0], $0xffff  }
0x7d: {  	v19 =	vld.idx.msk [tilespmem:v21+s2+$0x0], $0xffff;
	s26 =	simm.s32 $0x488  }
0x7e: {  	v20 =	vld.idx.msk [tilespmem:v20+s2+$0x0], $0xffff;
	s25 =	simm.s32 $0x484;
	s28 =	simm.s32 $0x48A;
	v21 =	vmov s26;
	v22 =	vadd.s32 s26, v3  }
0x7f: {  	v18 =	vld.idx.msk [tilespmem:v18+s2+$0x0], $0xffff;
	s0 =	simm.s32 $0x482;
	s12 =	simm.s32 $0x48C;
	s29 =	simm.s32 $0x48E;
	v24 =	vadd.s32 s28, v3;
	v25 =	vor.u32 s25, v0;
	v27 =	vmov s28  }
0x80: {  	v17 =	vld.idx.msk [tilespmem:v17+s2+$0x0], $0xffff;
	s1 =	simm.s32 $0x486;
	v28 =	vadd.s32 s12, v3;
	v29 =	vor.u32 s0, v0;
	v30 =	vmov s29  }
0x81: {  	v14 =	vld.idx.msk [tilespmem:v14+s2+$0x0], $0xffff;
	s24 =	simm.s32 $0x480;
	v31 =	vadd.s32 s1, v3;
	v32 =	vmov s12;
	v33 =	vadd.s32 s29, v3  }
0x82: {  	v11 =	vld.idx.msk [tilespmem:v11+s2+$0x0], $0xffff;
	v34 =	vor.u32 s26, v0;
	v57 =	vadd.s32 s24, v3;
	v59 =	vmov s25  }
0x83: {  	v7 =	vld.idx.msk [tilespmem:v7+s2+$0x0], $0xffff;
	v26 =	vshll.u32 v24, $0x3;
	v24 =	vand.u32 $0x7F, v24;
	v29 =	vand.u32 $0x73, v29  }
0x84: {  	v13 =	vld.idx.msk [tilespmem:v13+s2+$0x0], $0xffff;
	v30 =	vshll.u32 v30, $0x3;
	v35 =	vshll.u32 v33, $0x3;
	v34 =	vand.u32 $0x79, v34  }
0x85: {  	v56 =	vshll.u32 v31, $0x3;
	v25 =	vand.u32 $0x75, v25;
	v58 =	vshll.u32 v57, $0x3  }
0x86: {  	v60 =	vshll.u32 v59, $0x3;
	v26 =	vand.u32 $0xFFFFFC00, v26;
	v10 =	vadd.f32 v15, v10  }
0x87: {  	v55 =	vand.u32 $0xFFFFFC00, v35;
	v15 =	vadd.f32 v16, v20;
	v8 =	vadd.f32 v8, v19  }
0x88: {  	v30 =	vand.u32 $0x7C00, v30;
	v16 =	vadd.f32 v17, v18;
	v9 =	vadd.f32 v9, v12  }
0x89: {  	v7 =	vadd.f32 v7, v11;
	v11 =	vor.u32 s24, v0;
	v12 =	vadd.f32 v14, v13  }
0x8a: {  	v13 =	vmov s0;
	v14 =	vadd.s32 s0, v3;
	v17 =	vadd.s32 s25, v3;
	[tilespmem:s23+$0x20] =	vst v10  }
0x8b: {  	v18 =	vmov s1;
	v19 =	vor.u32 s12, v0;
	v11 =	vand.u32 $0x71, v11;
	[tilespmem:s23+$0x0] =	vst v15  }
0x8c: {  	v20 =	vand.u32 $0x7F, v14;
	v23 =	vshll.u32 v17, $0x3;
	v19 =	vand.u32 $0x7D, v19;
	[tilespmem:s23+$0xFFFFFFE0] =	vst v8  }
0x8d: {  	v18 =	vshll.u32 v18, $0x3;
	v13 =	vshll.u32 v13, $0x3;
	v23 =	vand.u32 $0xFFFFFC00, v23;
	[tilespmem:s23+$0xFFFFFFD0] =	vst v16  }
0x8e: {  	v10 =	vand.u32 $0x7F, v33;
	v15 =	vor.u32 s29, v0;
	v8 =	vshll.u32 v22, $0x3;
	[tilespmem:s23+$0xFFFFFFC0] =	vst v9  }
0x8f: {  	v16 =	vor.u32 s28, v0;
	[tilespmem:s23+$0xFFFFFFF0] =	vst v7;
	v7 =	vand.u32 $0x7F, v17;
	v17 =	vand.u32 $0x7F, v31  }
0x90: {  	[tilespmem:s23+$0x10] =	vst v12;
	v12 =	vor.u32 s1, v0;
	v15 =	vand.u32 $0x7F, v15;
	v9 =	vand.u32 $0x7B, v16  }
0x91: {  	v16 =	vshll.u32 v27, $0x3;
	v27 =	vand.u32 $0xFFFFFC00, v56;
	v7 =	vor.u32 v7, v23  }
0x92: {  	v15 =	vor.u32 v15, v30;
	v17 =	vor.u32 v17, v27;
	v23 =	vadd.s32 v4, v7  }
0x93: {  	v15 =	vor.u32 v2, v15;
	v7 =	vadd.s32 v4, v17;
	v17 =	vmov s24  }
0x94: {  	v10 =	vor.u32 v10, v55;
	[hbm4b:s6+s15] =	stream.strided.scatter [tilespmem:s17], [sflag:$0x3], $0x2000, s16, s15, $0x38;
	v8 =	vand.u32 $0xFFFFFC00, v8;
	v17 =	vshll.u32 v17, $0x3;
	[tilespmem:$0xD080] =	vst v63  }
0x95: {  	v12 =	vand.u32 $0x77, v12;
	v10 =	vadd.s32 v4, v10;
	_ =	swait.ge [sflag:s18], $0x4000;
	v17 =	vand.u32 $0x7C00, v17  }
0x96: {  	v30 =	vand.u32 $0xFFFFFC00, v58;
	[sflag:s18] =	ssyncset.done $0x0;
	v11 =	vor.u32 v11, v17;
	v17 =	vand.u32 $0x7F, v57  }
0x97: {  	[sflag:s18] =	ssyncadd.s32 $0xFFFFC000;
	v62 =	vor.u32 v2, v11;
	v11 =	vand.u32 $0x7C00, v18;
	v18 =	vshll.u32 v32, $0x3  }
0x98: {  	v61 =	vld.idx.msk [tilespmem:v15+s2+$0x0], $0xffff;
	v15 =	vor.u32 v17, v30;
	v17 =	vshll.u32 v21, $0x3;
	v21 =	vand.u32 $0x7F, v22  }
0x99: {  	v11 =	vor.u32 v12, v11;
	v12 =	vand.u32 $0x7C00, v16;
	v16 =	vand.u32 $0x7C00, v18  }
0x9a: {  	v18 =	vshll.u32 v14, $0x3;
	v15 =	vadd.s32 v4, v15;
	v17 =	vand.u32 $0x7C00, v17  }
0x9b: {  	v11 =	vor.u32 v2, v11;
	v22 =	vor.u32 v21, v8;
	v8 =	vor.u32 v19, v16  }
0x9c: {  	v10 =	vld.idx.msk [tilespmem:v10+s2+$0x0], $0xffff;
	v9 =	vor.u32 v9, v12;
	v12 =	vshll.u32 v28, $0x3;
	v21 =	vand.u32 $0x7C00, v60  }
0x9d: {  	v63 =	vor.u32 v34, v17;
	v16 =	vor.u32 v2, v8;
	v8 =	vand.u32 $0x7F, v28  }
0x9e: {  	v17 =	vor.u32 v24, v26;
	v12 =	vand.u32 $0xFFFFFC00, v12;
	v22 =	vadd.s32 v4, v22  }
0x9f: {  	v14 =	vadd.s32 v4, v17;
	v8 =	vor.u32 v8, v12;
	v12 =	vand.u32 $0x7C00, v13  }
0xa0: {  	v13 =	vand.u32 $0xFFFFFC00, v18;
	v19 =	vadd.s32 v4, v8;
	v12 =	vor.u32 v29, v12  }
0xa1: {  	v17 =	vor.u32 v20, v13;
	v13 =	vor.u32 v2, v9;
	v10 =	vadd.f32 v10, v61  }
0xa2: {  	s23 =	simm.s32 $0xB070;
	v8 =	vld.idx.msk [tilespmem:v23+s2+$0x0], $0xffff;
	v9 =	vor.u32 v25, v21;
	v20 =	vor.u32 v2, v63;
	v18 =	vor.u32 v2, v12  }
0xa3: {  	s26 =	simm.s32 $0xB0F0;
	s25 =	simm.s32 $0x490;
	s24 =	simm.s32 $0x200;
	v17 =	vadd.s32 v4, v17;
	v12 =	vld.idx.msk [tilespmem:v62+s2+$0x0], $0xffff;
	v21 =	vor.u32 v2, v9;
	[tilespmem:s23+$0x0] =	vst v10  }
.LBB2_4:
0xa4: {  	v9 =	vor.u32 s25, v0;
	s0 =	sadd.s32 $0x2, s25;
	s28 =	sadd.s32 $0x4, s25;
	s1 =	sadd.s32 $0xC, s25;
	v15 =	vld.idx.msk [tilespmem:v15+s2+$0x0], $0xffff  }
0xa5: {  	s29 =	sadd.s32 $0x6, s25;
	s24 =	sadd.s32 $0x8, s24;
	v23 =	vand.u32 $0x71, v9;
	v24 =	vmov s0;
	v9 =	vadd.s32 s0, v3;
	v16 =	vld.idx.msk [tilespmem:v16+s2+$0x0], $0xffff  }
0xa6: {  	s12 =	sadd.s32 $0x8, s25;
	s30 =	sadd.s32 $0xA, s25;
	v25 =	vadd.s32 s28, v3;
	v26 =	vmov s29;
	v27 =	vor.u32 s1, v0;
	p2 =	slt.u32 s24, $0x3F8;
	v19 =	vld.idx.msk [tilespmem:v19+s2+$0x0], $0xffff  }
0xa7: {  	v28 =	vmov s12;
	v29 =	vadd.s32 s12, v3;
	v10 =	vand.u32 $0x7F, v9  }
0xa8: {  	v30 =	vor.u32 s28, v0;
	v32 =	vadd.s32 s30, v3;
	v31 =	vshll.u32 v25, $0x3;
	v22 =	vld.idx.msk [tilespmem:v22+s2+$0x0], $0xffff  }
0xa9: {  	v33 =	vshll.u32 v32, $0x3;
	v27 =	vand.u32 $0x7D, v27;
	v31 =	vand.u32 $0xFFFFFC00, v31;
	v21 =	vld.idx.msk [tilespmem:v21+s2+$0x0], $0xffff  }
0xaa: {  	s31 =	sadd.s32 $0xE, s25;
	v34 =	vmov s30;
	v35 =	vadd.s32 s1, v3;
	v33 =	vand.u32 $0xFFFFFC00, v33;
	v20 =	vld.idx.msk [tilespmem:v20+s2+$0x0], $0xffff  }
0xab: {  	v36 =	vor.u32 s0, v0;
	v37 =	vmov s31;
	v32 =	vand.u32 $0x7F, v32;
	v18 =	vld.idx.msk [tilespmem:v18+s2+$0x0], $0xffff  }
0xac: {  	v38 =	vadd.s32 s29, v3;
	v39 =	vmov s1;
	v40 =	vadd.s32 s31, v3;
	v17 =	vld.idx.msk [tilespmem:v17+s2+$0x0], $0xffff  }
0xad: {  	v41 =	vor.u32 s12, v0;
	v36 =	vand.u32 $0x73, v36;
	v37 =	vshll.u32 v37, $0x3;
	v14 =	vld.idx.msk [tilespmem:v14+s2+$0x0], $0xffff  }
0xae: {  	v26 =	vshll.u32 v26, $0x3;
	v42 =	vand.u32 $0x7F, v40;
	v16 =	vadd.f32 v19, v16  }
0xaf: {  	v40 =	vshll.u32 v40, $0x3;
	v19 =	vshll.u32 v24, $0x3;
	v24 =	vand.u32 $0x79, v41;
	v11 =	vld.idx.msk [tilespmem:v11+s2+$0x0], $0xffff  }
0xb0: {  	v37 =	vand.u32 $0x7C00, v37;
	v41 =	vshll.u32 v29, $0x3;
	v20 =	vadd.f32 v22, v20;
	[tilespmem:s23+$0xFFFFFFF0] =	vst v16  }
0xb1: {  	v8 =	vadd.f32 v8, v21;
	v22 =	vand.u32 $0xFFFFFC00, v40;
	v16 =	vor.u32 s31, v0  }
0xb2: {  	v21 =	vor.u32 v42, v22;
	v16 =	vand.u32 $0x7F, v16;
	v17 =	vadd.f32 v17, v18;
	v18 =	vld.idx.msk [tilespmem:v7+s2+$0x0], $0xffff;
	[tilespmem:s23+$0xFFFFFFD0] =	vst v20  }
0xb3: {  	v7 =	vor.u32 s30, v0;
	v16 =	vor.u32 v16, v37;
	v20 =	vadd.s32 v4, v21;
	[tilespmem:s23+$0xFFFFFFB0] =	vst v8  }
0xb4: {  	v22 =	vshll.u32 v34, $0x3;
	v21 =	vand.u32 $0x7B, v7;
	v8 =	vor.u32 v2, v16;
	[tilespmem:s23+$0xFFFFFFA0] =	vst v17;
	v13 =	vld.idx.msk [tilespmem:v13+s2+$0x0], $0xffff  }
0xb5: {  	v7 =	vand.u32 $0x7F, v25;
	v16 =	vand.u32 $0x7F, v38;
	v17 =	vshll.u32 v38, $0x3  }
0xb6: {  	v34 =	vand.u32 $0xFFFFFC00, v41;
	v25 =	vor.u32 s29, v0;
	v17 =	vand.u32 $0xFFFFFC00, v17  }
0xb7: {  	v12 =	vadd.f32 v15, v12;
	v7 =	vor.u32 v7, v31;
	v16 =	vor.u32 v16, v17  }
0xb8: {  	v15 =	vadd.s32 v4, v7;
	v7 =	vadd.s32 v4, v16;
	v11 =	vadd.f32 v18, v11;
	v17 =	vld.idx.msk [tilespmem:v20+s2+$0x0], $0xffff  }
0xb9: {  	v16 =	vmov s25;
	v18 =	vadd.s32 s25, v3;
	v20 =	vand.u32 $0x75, v30;
	[tilespmem:s23+$0xFFFFFF90] =	vst v12  }
0xba: {  	v30 =	vmov s28;
	v12 =	vshll.u32 v16, $0x3;
	v16 =	vshll.u32 v18, $0x3;
	v31 =	vld.idx.msk [tilespmem:v8+s2+$0x0], $0xffff;
	[tilespmem:s23+$0xFFFFFFC0] =	vst v11  }
0xbb: {  	v8 =	vand.u32 $0x7C00, v12;
	v11 =	vand.u32 $0xFFFFFC00, v16;
	v12 =	vadd.f32 v14, v13  }
0xbc: {  	v13 =	vand.u32 $0x7F, v18;
	v14 =	vshll.u32 v30, $0x3;
	v8 =	vor.u32 v23, v8  }
0xbd: {  	v16 =	vand.u32 $0x7C00, v26;
	v23 =	vshll.u32 v39, $0x3;
	v18 =	vor.u32 v2, v8;
	[tilespmem:s23+$0xFFFFFFE0] =	vst v12;
	s23 =	smov.u32 s26  }
0xbe: {  	v11 =	vor.u32 v13, v11;
	v13 =	vand.u32 $0x7F, v29;
	v12 =	vshll.u32 v28, $0x3;
	v8 =	vld.idx.msk [tilespmem:v15+s2+$0x0], $0xffff  }
0xbf: {  	v15 =	vadd.s32 v4, v11;
	v11 =	vand.u32 $0x77, v25;
	v12 =	vand.u32 $0x7C00, v12  }
0xc0: {  	v22 =	vand.u32 $0x7C00, v22;
	v11 =	vor.u32 v11, v16;
	v16 =	vand.u32 $0x7C00, v23  }
0xc1: {  	v23 =	vor.u32 v13, v34;
	v11 =	vor.u32 v2, v11;
	v13 =	vor.u32 v27, v16  }
0xc2: {  	v24 =	vor.u32 v24, v12;
	v12 =	vadd.f32 v17, v31;
	v16 =	vor.u32 v2, v13  }
0xc3: {  	v17 =	vand.u32 $0x7F, v35;
	v13 =	vor.u32 v21, v22;
	v21 =	vshll.u32 v35, $0x3  }
0xc4: {  	v22 =	vand.u32 $0x7C00, v14;
	v14 =	vor.u32 v32, v33;
	v21 =	vand.u32 $0xFFFFFC00, v21;
	[tilespmem:s26+$0x0] =	vst v12  }
.Ltmp1:
0xc5: {  	v9 =	vshll.u32 v9, $0x3;
	v14 =	vadd.s32 v4, v14;
	v12 =	vor.u32 v17, v21;
	(pc) =	sbr.rel @p2 .LBB2_4-.Ltmp1, $4  }
0xc6: {  	v9 =	vand.u32 $0xFFFFFC00, v9;
	v17 =	vand.u32 $0x7C00, v19;
	v19 =	vadd.s32 v4, v12  }
0xc7: {  	v9 =	vor.u32 v10, v9;
	v13 =	vor.u32 v2, v13;
	v17 =	vor.u32 v36, v17  }
0xc8: {  	v12 =	vld.idx.msk [tilespmem:v18+s2+$0x0], $0xffff;
	v18 =	vor.u32 v2, v17;
	v17 =	vadd.s32 v4, v9;
	v9 =	vor.u32 v20, v22  }
0xc9: {  	s25 =	sadd.s32 $0x10, s25;
	s26 =	sadd.s32 $0x80, s26;
	v20 =	vor.u32 v2, v24;
	v22 =	vadd.s32 v4, v23;
	v21 =	vor.u32 v2, v9  }
0xca: {  	_ =	sdelay $0x3  }
0xcb: {  	v9 =	vld.idx.msk [tilespmem:v15+s2+$0x0], $0xffff  }
0xcc: {  	v10 =	vld.idx.msk [tilespmem:v16+s2+$0x0], $0xffff  }
0xcd: {  	v59 =	vld.idx.msk [tilespmem:v19+s2+$0x0], $0xffff  }
0xce: {  	v60 =	vld.idx.msk [tilespmem:v22+s2+$0x0], $0xffff  }
0xcf: {  	v61 =	vld.idx.msk [tilespmem:v21+s2+$0x0], $0xffff  }
0xd0: {  	v20 =	vld.idx.msk [tilespmem:v20+s2+$0x0], $0xffff  }
0xd1: {  	v18 =	vld.idx.msk [tilespmem:v18+s2+$0x0], $0xffff  }
0xd2: {  	v17 =	vld.idx.msk [tilespmem:v17+s2+$0x0], $0xffff  }
0xd3: {  	v14 =	vld.idx.msk [tilespmem:v14+s2+$0x0], $0xffff  }
0xd4: {  	v11 =	vld.idx.msk [tilespmem:v11+s2+$0x0], $0xffff  }
0xd5: {  	v7 =	vld.idx.msk [tilespmem:v7+s2+$0x0], $0xffff;
	v10 =	vadd.f32 v59, v10  }
0xd6: {  	v13 =	vld.idx.msk [tilespmem:v13+s2+$0x0], $0xffff;
	v62 =	vadd.f32 v60, v20  }
0xd7: {  	v8 =	vadd.f32 v8, v61;
	[tilespmem:s23+$0xFFFFFFF0] =	vst v10  }
0xd8: {  	v63 =	vadd.f32 v17, v18;
	[tilespmem:s23+$0xFFFFFFD0] =	vst v62  }
0xd9: {  	[tilespmem:s23+$0xFFFFFFB0] =	vst v8;
	v8 =	vadd.f32 v9, v12  }
0xda: {  	v7 =	vadd.f32 v7, v11;
	[tilespmem:s23+$0xFFFFFFA0] =	vst v63  }
0xdb: {  	[tilespmem:s23+$0xFFFFFF90] =	vst v8;
	v8 =	vadd.f32 v14, v13  }
0xdc: {  	[tilespmem:s23+$0xFFFFFFC0] =	vst v7  }
0xdd: {  	[tilespmem:s23+$0xFFFFFFE0] =	vst v8  }
0xde: {  	v7 =	vld.idx.msk [tilespmem:v5+s2+$0x0], $0xffff  }
0xdf: {  	v8 =	vld.idx.msk [tilespmem:v6+s2+$0x0], $0xffff;
	_ =	sdelay $0x4  }
0xe0: {  	v7 =	vadd.f32 v8, v7;
	_ =	sdelay $0x1  }
0xe1: {  	[tilespmem:$0xD000] =	vst v7  }
0xe2: {  	[hbm4b:s7+s15] =	stream.strided.scatter [tilespmem:s19], [sflag:$0x4], $0x2000, s16, s15, $0x38;
	[tilespmem:$0xD080] =	vst v63  }
0xe3: {  	_ =	swait.ge [sflag:s20], $0x2000  }
0xe4: {  	[sflag:s20] =	ssyncset.done $0x0  }
0xe5: {  	s0 =	simm.s32 @!p1 $0x0;
	s1 =	simm.s32 @!p1 $0xD000;
	[sflag:s20] =	ssyncadd.s32 $0xFFFFE000  }
0xe6: {  	[hbm4b:s8+s0] =	stream.linear.scatter @!p1 [tilespmem:s1], [sflag:$0x4], $0x80, $0x38;
	[tilespmem:$0xD080] =	vst v63  }
0xe7: {  	s22 =	sadd.s32 $0x1, s22;
	s0 =	simm.s32 @!p1 $0x4  }
0xe8: {  	p2 =	sne.s32 s22, s9;
	_ =	swait.ge @!p1 [sflag:s0], $0x80  }
.Ltmp2:
0xe9: {  	[sflag:s0] =	ssyncset.done @!p1 $0x0;
	(pc) =	sbr.rel @p2 .LBB2_1-.Ltmp2, $4  }
0xea: {  	[sflag:s0] =	ssyncadd.s32 @!p1 $0xFFFFFF80  }
0xeb: {  	_ =	swait.ge [sflag:s21], $0x2000  }
0xec: {  	[sflag:s21] =	ssyncset.done $0x0  }
0xed: {  	[sflag:s21] =	ssyncadd.s32 $0xFFFFE000  }
0xee: {  	_ =	sfence.sel $0x180000  }
0xef: {  	[bflag:$0x0] =	sbarrier.arrive $0xFFFF  }
0xf0: {  	_ =	strace $0x90000047  }
0xf1: {  	s0 =	stileid.u32;
	[bflag:$0x2] =	sbarrier.arrive $0xFFFF  }
0xf2: {  	p0 =	sne.s32 s0, $0x0;
	s0 =	rddreg [dreg:$0x1]  }
0xf3: {  	s0 =	sadd.s32 @!p0 $0x100000, s0  }
0xf4: {  	[sflag:s0] =	ssyncadd.tile.s32 @!p0 $0x1;
	_ =	shalt  }
.Lfunc_end2:
_tile_overlayer_lowered:
.L_overlay_start_2:
0xf5: {  	(tag) =	ssettag $0x2  }
0xf6: {  	s0 =	rddreg [dreg:$0x0];
	s2 =	stileid.u32  }
0xf7: {  	s1 =	rddreg [dreg:$0x1];
	p0 =	sne.s32 s2, $0x0  }
0xf8: {  	s3 =	rddreg [dreg:$0x2];
	[bflag:$0x3] =	sbarrier.arrive $0xFFFF;
	s2 =	simm.s32 @!p0 $0x1C04  }
0xf9: {  	[timem:s3], [sflag:s2] =	dma.local @!p0 [hbm:s0], s1  }
0xfa: {  	s0 =	simm.s32 @!p0 $0x4  }
0xfb: {  	_ =	swait.ge @!p0 [sflag:s0], s1  }
0xfc: {  	s1 =	ssub.s32 @!p0 $0x0, s1;
	[sflag:s0] =	ssyncset.done @!p0 $0x0  }
0xfd: {  	[sflag:s0] =	ssyncadd.s32 @!p0 s1  }
0xfe: {  	[bflag:$0x3] =	sbarrier.arrive $0xFFFF  }
0xff: {  	_ =	shalt  }

</sc_bundles>
